<compile_context>
chip_gen: v7x
topology: tpu7x:2x2x1
jax: 0.10.2.dev20260603
libtpu: 0.0.44.dev20260713+nightly
codegen_flags: <defaults>
</compile_context>

<pallas_src>
import functools

import jax
import jax.numpy as jnp
from jax import lax
from jax.experimental import pallas as pl
from jax.experimental.pallas import tpu as pltpu
from jax.experimental.pallas import tpu_sc as plsc

NUM_CORES = 2
NUM_SUBCORES = 16
NUM_WORKERS = NUM_CORES * NUM_SUBCORES
LANES = 16
CHUNK = 320
NBUF = 2
JB = 8


def _embed_sc(xf, tab_flat, n, dim):
    mesh = plsc.VectorSubcoreMesh(core_axis_name="c", subcore_axis_name="s")
    vd = tab_flat.shape[0]
    n_per_worker = n // NUM_WORKERS
    n_chunks = n_per_worker // CHUNK
    n_blocks = n_chunks // NBUF
    groups = CHUNK // LANES

    @functools.partial(
        pl.kernel,
        out_type=jax.ShapeDtypeStruct((n, dim), jnp.float32),
        mesh=mesh,
        scratch_types=[
            pltpu.VMEM((vd,), jnp.float32),
            pltpu.VMEM((CHUNK,), jnp.int32),
            pltpu.VMEM((CHUNK,), jnp.int32),
            pltpu.VMEM((CHUNK, dim), jnp.float32),
            pltpu.VMEM((CHUNK, dim), jnp.float32),
            pltpu.SemaphoreType.DMA,
            pltpu.SemaphoreType.DMA,
            pltpu.SemaphoreType.DMA,
            pltpu.SemaphoreType.DMA,
        ],
        compiler_params=pltpu.CompilerParams(needs_layout_passes=False),
    )
    def k(xf_hbm, tab_hbm, out_hbm, tab_v, idx0, idx1, out0, out1, si0, si1, so0, so1):
        idx_b = (idx0, idx1)
        out_b = (out0, out1)
        sem_i = (si0, si1)
        sem_o = (so0, so1)
        wid = lax.axis_index("s") * NUM_CORES + lax.axis_index("c")
        base = wid * n_per_worker
        pltpu.sync_copy(tab_hbm, tab_v)

        for b in range(NBUF):
            pltpu.async_copy(
                xf_hbm.at[pl.ds(base + b * CHUNK, CHUNK)], idx_b[b], sem_i[b]
            )

        def blk_body(blk, carry):
            for b in range(NBUF):
                i = blk * NBUF + b
                off = base + i * CHUNK
                pltpu.make_async_copy(
                    xf_hbm.at[pl.ds(off, CHUNK)], idx_b[b], sem_i[b]
                ).wait()

                @pl.when(blk > 0)
                def _wait_out():
                    pltpu.make_async_copy(
                        out_b[b], out_hbm.at[pl.ds(0, CHUNK), :], sem_o[b]
                    ).wait()

                def grp_body(g, pos):
                    toffv = idx_b[b][pl.ds(g * LANES, LANES)] * dim
                    for jb in range(0, LANES, JB):
                        vals = []
                        for j in range(jb, jb + JB):
                            toff = toffv[j]
                            vals.append(
                                [
                                    tab_v[pl.ds(toff + h * LANES, LANES)]
                                    for h in range(dim // LANES)
                                ]
                            )
                        for jj, j in enumerate(range(jb, jb + JB)):
                            r = pos + j
                            for h in range(dim // LANES):
                                out_b[b][r, pl.ds(h * LANES, LANES)] = vals[jj][h]
                    return pos + LANES

                lax.fori_loop(0, groups, grp_body, 0)
                pltpu.async_copy(
                    out_b[b], out_hbm.at[pl.ds(off, CHUNK), :], sem_o[b]
                )

                @pl.when(blk < n_blocks - 1)
                def _prefetch():
                    pltpu.async_copy(
                        xf_hbm.at[pl.ds(off + NBUF * CHUNK, CHUNK)],
                        idx_b[b],
                        sem_i[b],
                    )

            return carry

        lax.fori_loop(0, n_blocks, blk_body, 0)
        for b in range(NBUF):
            pltpu.make_async_copy(
                out_b[b], out_hbm.at[pl.ds(0, CHUNK), :], sem_o[b]
            ).wait()

    return k(xf, tab_flat)


def kernel(x, table):
    batch, seq = x.shape
    vocab, dim = table.shape
    n = batch * seq
    assert n % (NUM_WORKERS * CHUNK * NBUF) == 0
    xf = x.reshape(n).astype(jnp.int32)
    out = _embed_sc(xf, table.reshape(vocab * dim), n, dim)
    return out.reshape(batch, seq, dim)

# --- scband reference (transcript-rebuilt; emitter-appended) ---
"""Pipeline reference for scband-tcrembedding-87290915324569 (READ-ONLY COPY).

The authoritative reference and input builder live on the scoring server;
editing this copy changes nothing except your own understanding.
"""

import jax, jax.numpy as jnp
import numpy as np

VOCAB_SIZE = 22
EMBED_DIM = 32
BATCH = 16384
SEQ_LEN = 200

def setup_inputs(seed: int = 0) -> dict:
    key = jax.random.key(seed)
    k_idx, k_tab = jax.random.split(key)
    x = jax.random.randint(k_idx, (BATCH, SEQ_LEN), 0, VOCAB_SIZE, dtype=jnp.int64 if jax.config.jax_enable_x64 else jnp.int32)
    table = jax.random.normal(k_tab, (VOCAB_SIZE, EMBED_DIM), dtype=jnp.float32)
    # padding_idx=0 -> row 0 of the embedding table is initialized to zeros
    table = table.at[0].set(0.0)
    return {"x": x, "table": table}

def reference(x, table):
    # nn.Embedding forward: simple row gather
    return jnp.take(table, x, axis=0)

if __name__ == "__main__":
    import jax
    _d = setup_inputs()
    print(jax.jit(kernel)(*tuple(_d.values())))

</pallas_src>

<mosaic_0001>
#map = affine_map<(d0, d1) -> (0)>
#map1 = affine_map<(d0, d1) -> (0, 0)>
module attributes {stable_mosaic.version = 14 : i64} {
  func.func @k(%arg0: i32, %arg1: i32, %arg2: memref<3276800xi32, #tpu.memory_space<hbm>>, %arg3: memref<704xf32, #tpu.memory_space<hbm>>, %arg4: memref<3276800x32xf32, #tpu.memory_space<hbm>>, %arg5: memref<704xf32, #tpu.memory_space<vmem>>, %arg6: memref<320xi32, #tpu.memory_space<vmem>>, %arg7: memref<320xi32, #tpu.memory_space<vmem>>, %arg8: memref<320x32xf32, #tpu.memory_space<vmem>>, %arg9: memref<320x32xf32, #tpu.memory_space<vmem>>, %arg10: memref<!tpu.dma_semaphore, #tpu.memory_space<semaphore_mem>>, %arg11: memref<!tpu.dma_semaphore, #tpu.memory_space<semaphore_mem>>, %arg12: memref<!tpu.dma_semaphore, #tpu.memory_space<semaphore_mem>>, %arg13: memref<!tpu.dma_semaphore, #tpu.memory_space<semaphore_mem>>) attributes {dimension_semantics = [#tpu.dimension_semantics<core_parallel>, #tpu.dimension_semantics<subcore_parallel>], iteration_bounds = array<i64: 2, 16>, scalar_prefetch = 0 : i64, scratch_operands = 9 : i64, tpu.core_type = #tpu.core_type<sc_vector_subcore>, window_params = [{transform_indices = #map}, {transform_indices = #map}, {transform_indices = #map1}]} {
    %mul3A = arith.constant 2 : i32
    %mul3A_0 = arith.muli %arg1, %mul3A : i32
    %add3A = arith.addi %mul3A_0, %arg0 : i32
    %mul3A_1 = arith.constant 102400 : i32
    %mul3A_2 = arith.muli %add3A, %mul3A_1 : i32
    "tpu.region"() ({
      %run_scoped3A = tpu.sem_alloc : memref<!tpu.dma_semaphore, #tpu.memory_space<semaphore_mem>>
      tpu.enqueue_dma source(%arg3 : memref<704xf32, #tpu.memory_space<hbm>>) target(%arg5 : memref<704xf32, #tpu.memory_space<vmem>>) target_semaphore(%run_scoped3A : memref<!tpu.dma_semaphore, #tpu.memory_space<semaphore_mem>>)
      tpu.wait_dma2 semaphore(%run_scoped3A : memref<!tpu.dma_semaphore, #tpu.memory_space<semaphore_mem>>) src(%arg3 : memref<704xf32, #tpu.memory_space<hbm>>) dst(%arg5 : memref<704xf32, #tpu.memory_space<vmem>>)
      tpu.yield
    }) : () -> ()
    %add3A_3 = arith.constant 0 : i32
    %add3A_4 = arith.addi %mul3A_2, %add3A_3 : i32
    %dma_start3A = tpu.memref_slice %arg2[%add3A_4] : memref<3276800xi32, #tpu.memory_space<hbm>> -> memref<320xi32, #tpu.memory_space<hbm>>
    %dma_start3A_5 = tpu.memref_slice %arg2[%add3A_4] : memref<3276800xi32, #tpu.memory_space<hbm>> -> memref<320xi32, #tpu.memory_space<hbm>>
    tpu.enqueue_dma source(%dma_start3A_5 : memref<320xi32, #tpu.memory_space<hbm>>) target(%arg6 : memref<320xi32, #tpu.memory_space<vmem>>) target_semaphore(%arg10 : memref<!tpu.dma_semaphore, #tpu.memory_space<semaphore_mem>>)
    %add3A_6 = arith.constant 320 : i32
    %add3A_7 = arith.addi %mul3A_2, %add3A_6 : i32
    %dma_start3A_8 = tpu.memref_slice %arg2[%add3A_7] : memref<3276800xi32, #tpu.memory_space<hbm>> -> memref<320xi32, #tpu.memory_space<hbm>>
    %dma_start3A_9 = tpu.memref_slice %arg2[%add3A_7] : memref<3276800xi32, #tpu.memory_space<hbm>> -> memref<320xi32, #tpu.memory_space<hbm>>
    tpu.enqueue_dma source(%dma_start3A_9 : memref<320xi32, #tpu.memory_space<hbm>>) target(%arg7 : memref<320xi32, #tpu.memory_space<vmem>>) target_semaphore(%arg11 : memref<!tpu.dma_semaphore, #tpu.memory_space<semaphore_mem>>)
    %scan3A = arith.constant 0 : i32
    %scan3A_10 = arith.constant 0 : i32
    %scan3A_11 = arith.constant 160 : i32
    %scan3A_12 = arith.addi %scan3A_10, %scan3A_11 : i32
    %scan3A_13 = arith.constant 1 : i32
    scf.for %scan3A_26 = %scan3A_10 to %scan3A_12 step %scan3A_13  : i32 {
      %mul3A_27 = arith.constant 2 : i32
      %mul3A_28 = arith.muli %scan3A_26, %mul3A_27 : i32
      %add3A_29 = arith.constant 0 : i32
      %add3A_30 = arith.addi %mul3A_28, %add3A_29 : i32
      %mul3A_31 = arith.constant 320 : i32
      %mul3A_32 = arith.muli %add3A_30, %mul3A_31 : i32
      %add3A_33 = arith.addi %mul3A_2, %mul3A_32 : i32
      %dma_wait3A_34 = tpu.memref_slice %arg2[%add3A_33] : memref<3276800xi32, #tpu.memory_space<hbm>> -> memref<320xi32, #tpu.memory_space<hbm>>
      %dma_wait3A_35 = tpu.memref_slice %arg2[%add3A_33] : memref<3276800xi32, #tpu.memory_space<hbm>> -> memref<320xi32, #tpu.memory_space<hbm>>
      tpu.wait_dma2 semaphore(%arg10 : memref<!tpu.dma_semaphore, #tpu.memory_space<semaphore_mem>>) src(%dma_wait3A_35 : memref<320xi32, #tpu.memory_space<hbm>>) dst(%arg6 : memref<320xi32, #tpu.memory_space<vmem>>)
      %gt3A = arith.constant 0 : i32
      %gt3A_36 = arith.cmpi sgt, %scan3A_26, %gt3A : i32
      %convert_element_type3A = arith.extui %gt3A_36 : i1 to i32
      %cond3A = arith.constant 0 : i32
      %cond3A_37 = arith.cmpi ne, %convert_element_type3A, %cond3A : i32
      scf.if %cond3A_37 {
        %dma_wait3A_83 = arith.constant 0 : i32
        %dma_wait3A_84 = arith.constant 0 : i32
        %dma_wait3A_85 = tpu.memref_slice %arg4[%dma_wait3A_83, %dma_wait3A_84] : memref<3276800x32xf32, #tpu.memory_space<hbm>> -> memref<320x32xf32, #tpu.memory_space<hbm>>
        %dma_wait3A_86 = arith.constant 0 : i32
        %dma_wait3A_87 = arith.constant 0 : i32
        %dma_wait3A_88 = tpu.memref_slice %arg4[%dma_wait3A_86, %dma_wait3A_87] : memref<3276800x32xf32, #tpu.memory_space<hbm>> -> memref<320x32xf32, #tpu.memory_space<hbm>>
        tpu.wait_dma2 semaphore(%arg12 : memref<!tpu.dma_semaphore, #tpu.memory_space<semaphore_mem>>) src(%arg8 : memref<320x32xf32, #tpu.memory_space<vmem>>) dst(%dma_wait3A_88 : memref<320x32xf32, #tpu.memory_space<hbm>>)
      } else {
      }
      %scan3A_38 = arith.constant 0 : i32
      %scan3A_39 = arith.constant 0 : i32
      %scan3A_40 = arith.constant 20 : i32
      %scan3A_41 = arith.addi %scan3A_39, %scan3A_40 : i32
      %scan3A_42 = arith.constant 1 : i32
      %scan3A_43 = scf.for %scan3A_83 = %scan3A_39 to %scan3A_41 step %scan3A_42 iter_args(%scan3A_84 = %scan3A_38) -> (i32)  : i32 {
        %mul3A_85 = arith.constant 16 : i32
        %mul3A_86 = arith.muli %scan3A_83, %mul3A_85 : i32
        %get3A = arith.index_cast %mul3A_86 : i32 to index
        %get3A_87 = tpu.vector_load %arg6[%get3A] {strides = array<i32>} : memref<320xi32, #tpu.memory_space<vmem>>, vector<16xi32>,
        %mul3A_88 = arith.constant 32 : i32
        %mul3A_89 = vector.broadcast %mul3A_88 : i32 to vector<16xi32>
        %mul3A_90 = arith.muli %get3A_87, %mul3A_89 : vector<16xi32>
        %slice3A = vector.extract_strided_slice %mul3A_90 {offsets = [0], sizes = [1], strides = [1]} : vector<16xi32> to vector<1xi32>
        %squeeze3A = vector.extract %slice3A[0] : i32 from vector<1xi32>
        %add3A_91 = arith.constant 0 : i32
        %add3A_92 = arith.addi %squeeze3A, %add3A_91 : i32
        %get3A_93 = arith.index_cast %add3A_92 : i32 to index
        %get3A_94 = tpu.vector_load %arg5[%get3A_93] {strides = array<i32>} : memref<704xf32, #tpu.memory_space<vmem>>, vector<16xf32>,
        %add3A_95 = arith.constant 16 : i32
        %add3A_96 = arith.addi %squeeze3A, %add3A_95 : i32
        %get3A_97 = arith.index_cast %add3A_96 : i32 to index
        %get3A_98 = tpu.vector_load %arg5[%get3A_97] {strides = array<i32>} : memref<704xf32, #tpu.memory_space<vmem>>, vector<16xf32>,
        %slice3A_99 = vector.extract_strided_slice %mul3A_90 {offsets = [1], sizes = [1], strides = [1]} : vector<16xi32> to vector<1xi32>
        %squeeze3A_100 = vector.extract %slice3A_99[0] : i32 from vector<1xi32>
        %add3A_101 = arith.constant 0 : i32
        %add3A_102 = arith.addi %squeeze3A_100, %add3A_101 : i32
        %get3A_103 = arith.index_cast %add3A_102 : i32 to index
        %get3A_104 = tpu.vector_load %arg5[%get3A_103] {strides = array<i32>} : memref<704xf32, #tpu.memory_space<vmem>>, vector<16xf32>,
        %add3A_105 = arith.constant 16 : i32
        %add3A_106 = arith.addi %squeeze3A_100, %add3A_105 : i32
        %get3A_107 = arith.index_cast %add3A_106 : i32 to index
        %get3A_108 = tpu.vector_load %arg5[%get3A_107] {strides = array<i32>} : memref<704xf32, #tpu.memory_space<vmem>>, vector<16xf32>,
        %slice3A_109 = vector.extract_strided_slice %mul3A_90 {offsets = [2], sizes = [1], strides = [1]} : vector<16xi32> to vector<1xi32>
        %squeeze3A_110 = vector.extract %slice3A_109[0] : i32 from vector<1xi32>
        %add3A_111 = arith.constant 0 : i32
        %add3A_112 = arith.addi %squeeze3A_110, %add3A_111 : i32
        %get3A_113 = arith.index_cast %add3A_112 : i32 to index
        %get3A_114 = tpu.vector_load %arg5[%get3A_113] {strides = array<i32>} : memref<704xf32, #tpu.memory_space<vmem>>, vector<16xf32>,
        %add3A_115 = arith.constant 16 : i32
        %add3A_116 = arith.addi %squeeze3A_110, %add3A_115 : i32
        %get3A_117 = arith.index_cast %add3A_116 : i32 to index
        %get3A_118 = tpu.vector_load %arg5[%get3A_117] {strides = array<i32>} : memref<704xf32, #tpu.memory_space<vmem>>, vector<16xf32>,
        %slice3A_119 = vector.extract_strided_slice %mul3A_90 {offsets = [3], sizes = [1], strides = [1]} : vector<16xi32> to vector<1xi32>
        %squeeze3A_120 = vector.extract %slice3A_119[0] : i32 from vector<1xi32>
        %add3A_121 = arith.constant 0 : i32
        %add3A_122 = arith.addi %squeeze3A_120, %add3A_121 : i32
        %get3A_123 = arith.index_cast %add3A_122 : i32 to index
        %get3A_124 = tpu.vector_load %arg5[%get3A_123] {strides = array<i32>} : memref<704xf32, #tpu.memory_space<vmem>>, vector<16xf32>,
        %add3A_125 = arith.constant 16 : i32
        %add3A_126 = arith.addi %squeeze3A_120, %add3A_125 : i32
        %get3A_127 = arith.index_cast %add3A_126 : i32 to index
        %get3A_128 = tpu.vector_load %arg5[%get3A_127] {strides = array<i32>} : memref<704xf32, #tpu.memory_space<vmem>>, vector<16xf32>,
        %slice3A_129 = vector.extract_strided_slice %mul3A_90 {offsets = [4], sizes = [1], strides = [1]} : vector<16xi32> to vector<1xi32>
        %squeeze3A_130 = vector.extract %slice3A_129[0] : i32 from vector<1xi32>
        %add3A_131 = arith.constant 0 : i32
        %add3A_132 = arith.addi %squeeze3A_130, %add3A_131 : i32
        %get3A_133 = arith.index_cast %add3A_132 : i32 to index
        %get3A_134 = tpu.vector_load %arg5[%get3A_133] {strides = array<i32>} : memref<704xf32, #tpu.memory_space<vmem>>, vector<16xf32>,
        %add3A_135 = arith.constant 16 : i32
        %add3A_136 = arith.addi %squeeze3A_130, %add3A_135 : i32
        %get3A_137 = arith.index_cast %add3A_136 : i32 to index
        %get3A_138 = tpu.vector_load %arg5[%get3A_137] {strides = array<i32>} : memref<704xf32, #tpu.memory_space<vmem>>, vector<16xf32>,
        %slice3A_139 = vector.extract_strided_slice %mul3A_90 {offsets = [5], sizes = [1], strides = [1]} : vector<16xi32> to vector<1xi32>
        %squeeze3A_140 = vector.extract %slice3A_139[0] : i32 from vector<1xi32>
        %add3A_141 = arith.constant 0 : i32
        %add3A_142 = arith.addi %squeeze3A_140, %add3A_141 : i32
        %get3A_143 = arith.index_cast %add3A_142 : i32 to index
        %get3A_144 = tpu.vector_load %arg5[%get3A_143] {strides = array<i32>} : memref<704xf32, #tpu.memory_space<vmem>>, vector<16xf32>,
        %add3A_145 = arith.constant 16 : i32
        %add3A_146 = arith.addi %squeeze3A_140, %add3A_145 : i32
        %get3A_147 = arith.index_cast %add3A_146 : i32 to index
        %get3A_148 = tpu.vector_load %arg5[%get3A_147] {strides = array<i32>} : memref<704xf32, #tpu.memory_space<vmem>>, vector<16xf32>,
        %slice3A_149 = vector.extract_strided_slice %mul3A_90 {offsets = [6], sizes = [1], strides = [1]} : vector<16xi32> to vector<1xi32>
        %squeeze3A_150 = vector.extract %slice3A_149[0] : i32 from vector<1xi32>
        %add3A_151 = arith.constant 0 : i32
        %add3A_152 = arith.addi %squeeze3A_150, %add3A_151 : i32
        %get3A_153 = arith.index_cast %add3A_152 : i32 to index
        %get3A_154 = tpu.vector_load %arg5[%get3A_153] {strides = array<i32>} : memref<704xf32, #tpu.memory_space<vmem>>, vector<16xf32>,
        %add3A_155 = arith.constant 16 : i32
        %add3A_156 = arith.addi %squeeze3A_150, %add3A_155 : i32
        %get3A_157 = arith.index_cast %add3A_156 : i32 to index
        %get3A_158 = tpu.vector_load %arg5[%get3A_157] {strides = array<i32>} : memref<704xf32, #tpu.memory_space<vmem>>, vector<16xf32>,
        %slice3A_159 = vector.extract_strided_slice %mul3A_90 {offsets = [7], sizes = [1], strides = [1]} : vector<16xi32> to vector<1xi32>
        %squeeze3A_160 = vector.extract %slice3A_159[0] : i32 from vector<1xi32>
        %add3A_161 = arith.constant 0 : i32
        %add3A_162 = arith.addi %squeeze3A_160, %add3A_161 : i32
        %get3A_163 = arith.index_cast %add3A_162 : i32 to index
        %get3A_164 = tpu.vector_load %arg5[%get3A_163] {strides = array<i32>} : memref<704xf32, #tpu.memory_space<vmem>>, vector<16xf32>,
        %add3A_165 = arith.constant 16 : i32
        %add3A_166 = arith.addi %squeeze3A_160, %add3A_165 : i32
        %get3A_167 = arith.index_cast %add3A_166 : i32 to index
        %get3A_168 = tpu.vector_load %arg5[%get3A_167] {strides = array<i32>} : memref<704xf32, #tpu.memory_space<vmem>>, vector<16xf32>,
        %add3A_169 = arith.constant 0 : i32
        %add3A_170 = arith.addi %scan3A_84, %add3A_169 : i32
        %swap3A = arith.index_cast %add3A_170 : i32 to index
        %swap3A_171 = arith.constant 0 : index
        %swap3A_172 = tpu.vector_load %arg8[%swap3A, %swap3A_171] {strides = array<i32>} : memref<320x32xf32, #tpu.memory_space<vmem>>, vector<16xf32>,
        tpu.vector_store %arg8[%swap3A, %swap3A_171], %get3A_94 {strides = array<i32>} : memref<320x32xf32, #tpu.memory_space<vmem>>, vector<16xf32>,
        %swap3A_173 = arith.index_cast %add3A_170 : i32 to index
        %swap3A_174 = arith.constant 16 : index
        %swap3A_175 = tpu.vector_load %arg8[%swap3A_173, %swap3A_174] {strides = array<i32>} : memref<320x32xf32, #tpu.memory_space<vmem>>, vector<16xf32>,
        tpu.vector_store %arg8[%swap3A_173, %swap3A_174], %get3A_98 {strides = array<i32>} : memref<320x32xf32, #tpu.memory_space<vmem>>, vector<16xf32>,
        %add3A_176 = arith.constant 1 : i32
        %add3A_177 = arith.addi %scan3A_84, %add3A_176 : i32
        %swap3A_178 = arith.index_cast %add3A_177 : i32 to index
        %swap3A_179 = arith.constant 0 : index
        %swap3A_180 = tpu.vector_load %arg8[%swap3A_178, %swap3A_179] {strides = array<i32>} : memref<320x32xf32, #tpu.memory_space<vmem>>, vector<16xf32>,
        tpu.vector_store %arg8[%swap3A_178, %swap3A_179], %get3A_104 {strides = array<i32>} : memref<320x32xf32, #tpu.memory_space<vmem>>, vector<16xf32>,
        %swap3A_181 = arith.index_cast %add3A_177 : i32 to index
        %swap3A_182 = arith.constant 16 : index
        %swap3A_183 = tpu.vector_load %arg8[%swap3A_181, %swap3A_182] {strides = array<i32>} : memref<320x32xf32, #tpu.memory_space<vmem>>, vector<16xf32>,
        tpu.vector_store %arg8[%swap3A_181, %swap3A_182], %get3A_108 {strides = array<i32>} : memref<320x32xf32, #tpu.memory_space<vmem>>, vector<16xf32>,
        %add3A_184 = arith.constant 2 : i32
        %add3A_185 = arith.addi %scan3A_84, %add3A_184 : i32
        %swap3A_186 = arith.index_cast %add3A_185 : i32 to index
        %swap3A_187 = arith.constant 0 : index
        %swap3A_188 = tpu.vector_load %arg8[%swap3A_186, %swap3A_187] {strides = array<i32>} : memref<320x32xf32, #tpu.memory_space<vmem>>, vector<16xf32>,
        tpu.vector_store %arg8[%swap3A_186, %swap3A_187], %get3A_114 {strides = array<i32>} : memref<320x32xf32, #tpu.memory_space<vmem>>, vector<16xf32>,
        %swap3A_189 = arith.index_cast %add3A_185 : i32 to index
        %swap3A_190 = arith.constant 16 : index
        %swap3A_191 = tpu.vector_load %arg8[%swap3A_189, %swap3A_190] {strides = array<i32>} : memref<320x32xf32, #tpu.memory_space<vmem>>, vector<16xf32>,
        tpu.vector_store %arg8[%swap3A_189, %swap3A_190], %get3A_118 {strides = array<i32>} : memref<320x32xf32, #tpu.memory_space<vmem>>, vector<16xf32>,
        %add3A_192 = arith.constant 3 : i32
        %add3A_193 = arith.addi %scan3A_84, %add3A_192 : i32
        %swap3A_194 = arith.index_cast %add3A_193 : i32 to index
        %swap3A_195 = arith.constant 0 : index
        %swap3A_196 = tpu.vector_load %arg8[%swap3A_194, %swap3A_195] {strides = array<i32>} : memref<320x32xf32, #tpu.memory_space<vmem>>, vector<16xf32>,
        tpu.vector_store %arg8[%swap3A_194, %swap3A_195], %get3A_124 {strides = array<i32>} : memref<320x32xf32, #tpu.memory_space<vmem>>, vector<16xf32>,
        %swap3A_197 = arith.index_cast %add3A_193 : i32 to index
        %swap3A_198 = arith.constant 16 : index
        %swap3A_199 = tpu.vector_load %arg8[%swap3A_197, %swap3A_198] {strides = array<i32>} : memref<320x32xf32, #tpu.memory_space<vmem>>, vector<16xf32>,
        tpu.vector_store %arg8[%swap3A_197, %swap3A_198], %get3A_128 {strides = array<i32>} : memref<320x32xf32, #tpu.memory_space<vmem>>, vector<16xf32>,
        %add3A_200 = arith.constant 4 : i32
        %add3A_201 = arith.addi %scan3A_84, %add3A_200 : i32
        %swap3A_202 = arith.index_cast %add3A_201 : i32 to index
        %swap3A_203 = arith.constant 0 : index
        %swap3A_204 = tpu.vector_load %arg8[%swap3A_202, %swap3A_203] {strides = array<i32>} : memref<320x32xf32, #tpu.memory_space<vmem>>, vector<16xf32>,
        tpu.vector_store %arg8[%swap3A_202, %swap3A_203], %get3A_134 {strides = array<i32>} : memref<320x32xf32, #tpu.memory_space<vmem>>, vector<16xf32>,
        %swap3A_205 = arith.index_cast %add3A_201 : i32 to index
        %swap3A_206 = arith.constant 16 : index
        %swap3A_207 = tpu.vector_load %arg8[%swap3A_205, %swap3A_206] {strides = array<i32>} : memref<320x32xf32, #tpu.memory_space<vmem>>, vector<16xf32>,
        tpu.vector_store %arg8[%swap3A_205, %swap3A_206], %get3A_138 {strides = array<i32>} : memref<320x32xf32, #tpu.memory_space<vmem>>, vector<16xf32>,
        %add3A_208 = arith.constant 5 : i32
        %add3A_209 = arith.addi %scan3A_84, %add3A_208 : i32
        %swap3A_210 = arith.index_cast %add3A_209 : i32 to index
        %swap3A_211 = arith.constant 0 : index
        %swap3A_212 = tpu.vector_load %arg8[%swap3A_210, %swap3A_211] {strides = array<i32>} : memref<320x32xf32, #tpu.memory_space<vmem>>, vector<16xf32>,
        tpu.vector_store %arg8[%swap3A_210, %swap3A_211], %get3A_144 {strides = array<i32>} : memref<320x32xf32, #tpu.memory_space<vmem>>, vector<16xf32>,
        %swap3A_213 = arith.index_cast %add3A_209 : i32 to index
        %swap3A_214 = arith.constant 16 : index
        %swap3A_215 = tpu.vector_load %arg8[%swap3A_213, %swap3A_214] {strides = array<i32>} : memref<320x32xf32, #tpu.memory_space<vmem>>, vector<16xf32>,
        tpu.vector_store %arg8[%swap3A_213, %swap3A_214], %get3A_148 {strides = array<i32>} : memref<320x32xf32, #tpu.memory_space<vmem>>, vector<16xf32>,
        %add3A_216 = arith.constant 6 : i32
        %add3A_217 = arith.addi %scan3A_84, %add3A_216 : i32
        %swap3A_218 = arith.index_cast %add3A_217 : i32 to index
        %swap3A_219 = arith.constant 0 : index
        %swap3A_220 = tpu.vector_load %arg8[%swap3A_218, %swap3A_219] {strides = array<i32>} : memref<320x32xf32, #tpu.memory_space<vmem>>, vector<16xf32>,
        tpu.vector_store %arg8[%swap3A_218, %swap3A_219], %get3A_154 {strides = array<i32>} : memref<320x32xf32, #tpu.memory_space<vmem>>, vector<16xf32>,
        %swap3A_221 = arith.index_cast %add3A_217 : i32 to index
        %swap3A_222 = arith.constant 16 : index
        %swap3A_223 = tpu.vector_load %arg8[%swap3A_221, %swap3A_222] {strides = array<i32>} : memref<320x32xf32, #tpu.memory_space<vmem>>, vector<16xf32>,
        tpu.vector_store %arg8[%swap3A_221, %swap3A_222], %get3A_158 {strides = array<i32>} : memref<320x32xf32, #tpu.memory_space<vmem>>, vector<16xf32>,
        %add3A_224 = arith.constant 7 : i32
        %add3A_225 = arith.addi %scan3A_84, %add3A_224 : i32
        %swap3A_226 = arith.index_cast %add3A_225 : i32 to index
        %swap3A_227 = arith.constant 0 : index
        %swap3A_228 = tpu.vector_load %arg8[%swap3A_226, %swap3A_227] {strides = array<i32>} : memref<320x32xf32, #tpu.memory_space<vmem>>, vector<16xf32>,
        tpu.vector_store %arg8[%swap3A_226, %swap3A_227], %get3A_164 {strides = array<i32>} : memref<320x32xf32, #tpu.memory_space<vmem>>, vector<16xf32>,
        %swap3A_229 = arith.index_cast %add3A_225 : i32 to index
        %swap3A_230 = arith.constant 16 : index
        %swap3A_231 = tpu.vector_load %arg8[%swap3A_229, %swap3A_230] {strides = array<i32>} : memref<320x32xf32, #tpu.memory_space<vmem>>, vector<16xf32>,
        tpu.vector_store %arg8[%swap3A_229, %swap3A_230], %get3A_168 {strides = array<i32>} : memref<320x32xf32, #tpu.memory_space<vmem>>, vector<16xf32>,
        %slice3A_232 = vector.extract_strided_slice %mul3A_90 {offsets = [8], sizes = [1], strides = [1]} : vector<16xi32> to vector<1xi32>
        %squeeze3A_233 = vector.extract %slice3A_232[0] : i32 from vector<1xi32>
        %add3A_234 = arith.constant 0 : i32
        %add3A_235 = arith.addi %squeeze3A_233, %add3A_234 : i32
        %get3A_236 = arith.index_cast %add3A_235 : i32 to index
        %get3A_237 = tpu.vector_load %arg5[%get3A_236] {strides = array<i32>} : memref<704xf32, #tpu.memory_space<vmem>>, vector<16xf32>,
        %add3A_238 = arith.constant 16 : i32
        %add3A_239 = arith.addi %squeeze3A_233, %add3A_238 : i32
        %get3A_240 = arith.index_cast %add3A_239 : i32 to index
        %get3A_241 = tpu.vector_load %arg5[%get3A_240] {strides = array<i32>} : memref<704xf32, #tpu.memory_space<vmem>>, vector<16xf32>,
        %slice3A_242 = vector.extract_strided_slice %mul3A_90 {offsets = [9], sizes = [1], strides = [1]} : vector<16xi32> to vector<1xi32>
        %squeeze3A_243 = vector.extract %slice3A_242[0] : i32 from vector<1xi32>
        %add3A_244 = arith.constant 0 : i32
        %add3A_245 = arith.addi %squeeze3A_243, %add3A_244 : i32
        %get3A_246 = arith.index_cast %add3A_245 : i32 to index
        %get3A_247 = tpu.vector_load %arg5[%get3A_246] {strides = array<i32>} : memref<704xf32, #tpu.memory_space<vmem>>, vector<16xf32>,
        %add3A_248 = arith.constant 16 : i32
        %add3A_249 = arith.addi %squeeze3A_243, %add3A_248 : i32
        %get3A_250 = arith.index_cast %add3A_249 : i32 to index
        %get3A_251 = tpu.vector_load %arg5[%get3A_250] {strides = array<i32>} : memref<704xf32, #tpu.memory_space<vmem>>, vector<16xf32>,
        %slice3A_252 = vector.extract_strided_slice %mul3A_90 {offsets = [10], sizes = [1], strides = [1]} : vector<16xi32> to vector<1xi32>
        %squeeze3A_253 = vector.extract %slice3A_252[0] : i32 from vector<1xi32>
        %add3A_254 = arith.constant 0 : i32
        %add3A_255 = arith.addi %squeeze3A_253, %add3A_254 : i32
        %get3A_256 = arith.index_cast %add3A_255 : i32 to index
        %get3A_257 = tpu.vector_load %arg5[%get3A_256] {strides = array<i32>} : memref<704xf32, #tpu.memory_space<vmem>>, vector<16xf32>,
        %add3A_258 = arith.constant 16 : i32
        %add3A_259 = arith.addi %squeeze3A_253, %add3A_258 : i32
        %get3A_260 = arith.index_cast %add3A_259 : i32 to index
        %get3A_261 = tpu.vector_load %arg5[%get3A_260] {strides = array<i32>} : memref<704xf32, #tpu.memory_space<vmem>>, vector<16xf32>,
        %slice3A_262 = vector.extract_strided_slice %mul3A_90 {offsets = [11], sizes = [1], strides = [1]} : vector<16xi32> to vector<1xi32>
        %squeeze3A_263 = vector.extract %slice3A_262[0] : i32 from vector<1xi32>
        %add3A_264 = arith.constant 0 : i32
        %add3A_265 = arith.addi %squeeze3A_263, %add3A_264 : i32
        %get3A_266 = arith.index_cast %add3A_265 : i32 to index
        %get3A_267 = tpu.vector_load %arg5[%get3A_266] {strides = array<i32>} : memref<704xf32, #tpu.memory_space<vmem>>, vector<16xf32>,
        %add3A_268 = arith.constant 16 : i32
        %add3A_269 = arith.addi %squeeze3A_263, %add3A_268 : i32
        %get3A_270 = arith.index_cast %add3A_269 : i32 to index
        %get3A_271 = tpu.vector_load %arg5[%get3A_270] {strides = array<i32>} : memref<704xf32, #tpu.memory_space<vmem>>, vector<16xf32>,
        %slice3A_272 = vector.extract_strided_slice %mul3A_90 {offsets = [12], sizes = [1], strides = [1]} : vector<16xi32> to vector<1xi32>
        %squeeze3A_273 = vector.extract %slice3A_272[0] : i32 from vector<1xi32>
        %add3A_274 = arith.constant 0 : i32
        %add3A_275 = arith.addi %squeeze3A_273, %add3A_274 : i32
        %get3A_276 = arith.index_cast %add3A_275 : i32 to index
        %get3A_277 = tpu.vector_load %arg5[%get3A_276] {strides = array<i32>} : memref<704xf32, #tpu.memory_space<vmem>>, vector<16xf32>,
        %add3A_278 = arith.constant 16 : i32
        %add3A_279 = arith.addi %squeeze3A_273, %add3A_278 : i32
        %get3A_280 = arith.index_cast %add3A_279 : i32 to index
        %get3A_281 = tpu.vector_load %arg5[%get3A_280] {strides = array<i32>} : memref<704xf32, #tpu.memory_space<vmem>>, vector<16xf32>,
        %slice3A_282 = vector.extract_strided_slice %mul3A_90 {offsets = [13], sizes = [1], strides = [1]} : vector<16xi32> to vector<1xi32>
        %squeeze3A_283 = vector.extract %slice3A_282[0] : i32 from vector<1xi32>
        %add3A_284 = arith.constant 0 : i32
        %add3A_285 = arith.addi %squeeze3A_283, %add3A_284 : i32
        %get3A_286 = arith.index_cast %add3A_285 : i32 to index
        %get3A_287 = tpu.vector_load %arg5[%get3A_286] {strides = array<i32>} : memref<704xf32, #tpu.memory_space<vmem>>, vector<16xf32>,
        %add3A_288 = arith.constant 16 : i32
        %add3A_289 = arith.addi %squeeze3A_283, %add3A_288 : i32
        %get3A_290 = arith.index_cast %add3A_289 : i32 to index
        %get3A_291 = tpu.vector_load %arg5[%get3A_290] {strides = array<i32>} : memref<704xf32, #tpu.memory_space<vmem>>, vector<16xf32>,
        %slice3A_292 = vector.extract_strided_slice %mul3A_90 {offsets = [14], sizes = [1], strides = [1]} : vector<16xi32> to vector<1xi32>
        %squeeze3A_293 = vector.extract %slice3A_292[0] : i32 from vector<1xi32>
        %add3A_294 = arith.constant 0 : i32
        %add3A_295 = arith.addi %squeeze3A_293, %add3A_294 : i32
        %get3A_296 = arith.index_cast %add3A_295 : i32 to index
        %get3A_297 = tpu.vector_load %arg5[%get3A_296] {strides = array<i32>} : memref<704xf32, #tpu.memory_space<vmem>>, vector<16xf32>,
        %add3A_298 = arith.constant 16 : i32
        %add3A_299 = arith.addi %squeeze3A_293, %add3A_298 : i32
        %get3A_300 = arith.index_cast %add3A_299 : i32 to index
        %get3A_301 = tpu.vector_load %arg5[%get3A_300] {strides = array<i32>} : memref<704xf32, #tpu.memory_space<vmem>>, vector<16xf32>,
        %slice3A_302 = vector.extract_strided_slice %mul3A_90 {offsets = [15], sizes = [1], strides = [1]} : vector<16xi32> to vector<1xi32>
        %squeeze3A_303 = vector.extract %slice3A_302[0] : i32 from vector<1xi32>
        %add3A_304 = arith.constant 0 : i32
        %add3A_305 = arith.addi %squeeze3A_303, %add3A_304 : i32
        %get3A_306 = arith.index_cast %add3A_305 : i32 to index
        %get3A_307 = tpu.vector_load %arg5[%get3A_306] {strides = array<i32>} : memref<704xf32, #tpu.memory_space<vmem>>, vector<16xf32>,
        %add3A_308 = arith.constant 16 : i32
        %add3A_309 = arith.addi %squeeze3A_303, %add3A_308 : i32
        %get3A_310 = arith.index_cast %add3A_309 : i32 to index
        %get3A_311 = tpu.vector_load %arg5[%get3A_310] {strides = array<i32>} : memref<704xf32, #tpu.memory_space<vmem>>, vector<16xf32>,
        %add3A_312 = arith.constant 8 : i32
        %add3A_313 = arith.addi %scan3A_84, %add3A_312 : i32
        %swap3A_314 = arith.index_cast %add3A_313 : i32 to index
        %swap3A_315 = arith.constant 0 : index
        %swap3A_316 = tpu.vector_load %arg8[%swap3A_314, %swap3A_315] {strides = array<i32>} : memref<320x32xf32, #tpu.memory_space<vmem>>, vector<16xf32>,
        tpu.vector_store %arg8[%swap3A_314, %swap3A_315], %get3A_237 {strides = array<i32>} : memref<320x32xf32, #tpu.memory_space<vmem>>, vector<16xf32>,
        %swap3A_317 = arith.index_cast %add3A_313 : i32 to index
        %swap3A_318 = arith.constant 16 : index
        %swap3A_319 = tpu.vector_load %arg8[%swap3A_317, %swap3A_318] {strides = array<i32>} : memref<320x32xf32, #tpu.memory_space<vmem>>, vector<16xf32>,
        tpu.vector_store %arg8[%swap3A_317, %swap3A_318], %get3A_241 {strides = array<i32>} : memref<320x32xf32, #tpu.memory_space<vmem>>, vector<16xf32>,
        %add3A_320 = arith.constant 9 : i32
        %add3A_321 = arith.addi %scan3A_84, %add3A_320 : i32
        %swap3A_322 = arith.index_cast %add3A_321 : i32 to index
        %swap3A_323 = arith.constant 0 : index
        %swap3A_324 = tpu.vector_load %arg8[%swap3A_322, %swap3A_323] {strides = array<i32>} : memref<320x32xf32, #tpu.memory_space<vmem>>, vector<16xf32>,
        tpu.vector_store %arg8[%swap3A_322, %swap3A_323], %get3A_247 {strides = array<i32>} : memref<320x32xf32, #tpu.memory_space<vmem>>, vector<16xf32>,
        %swap3A_325 = arith.index_cast %add3A_321 : i32 to index
        %swap3A_326 = arith.constant 16 : index
        %swap3A_327 = tpu.vector_load %arg8[%swap3A_325, %swap3A_326] {strides = array<i32>} : memref<320x32xf32, #tpu.memory_space<vmem>>, vector<16xf32>,
        tpu.vector_store %arg8[%swap3A_325, %swap3A_326], %get3A_251 {strides = array<i32>} : memref<320x32xf32, #tpu.memory_space<vmem>>, vector<16xf32>,
        %add3A_328 = arith.constant 10 : i32
        %add3A_329 = arith.addi %scan3A_84, %add3A_328 : i32
        %swap3A_330 = arith.index_cast %add3A_329 : i32 to index
        %swap3A_331 = arith.constant 0 : index
        %swap3A_332 = tpu.vector_load %arg8[%swap3A_330, %swap3A_331] {strides = array<i32>} : memref<320x32xf32, #tpu.memory_space<vmem>>, vector<16xf32>,
        tpu.vector_store %arg8[%swap3A_330, %swap3A_331], %get3A_257 {strides = array<i32>} : memref<320x32xf32, #tpu.memory_space<vmem>>, vector<16xf32>,
        %swap3A_333 = arith.index_cast %add3A_329 : i32 to index
        %swap3A_334 = arith.constant 16 : index
        %swap3A_335 = tpu.vector_load %arg8[%swap3A_333, %swap3A_334] {strides = array<i32>} : memref<320x32xf32, #tpu.memory_space<vmem>>, vector<16xf32>,
        tpu.vector_store %arg8[%swap3A_333, %swap3A_334], %get3A_261 {strides = array<i32>} : memref<320x32xf32, #tpu.memory_space<vmem>>, vector<16xf32>,
        %add3A_336 = arith.constant 11 : i32
        %add3A_337 = arith.addi %scan3A_84, %add3A_336 : i32
        %swap3A_338 = arith.index_cast %add3A_337 : i32 to index
        %swap3A_339 = arith.constant 0 : index
        %swap3A_340 = tpu.vector_load %arg8[%swap3A_338, %swap3A_339] {strides = array<i32>} : memref<320x32xf32, #tpu.memory_space<vmem>>, vector<16xf32>,
        tpu.vector_store %arg8[%swap3A_338, %swap3A_339], %get3A_267 {strides = array<i32>} : memref<320x32xf32, #tpu.memory_space<vmem>>, vector<16xf32>,
        %swap3A_341 = arith.index_cast %add3A_337 : i32 to index
        %swap3A_342 = arith.constant 16 : index
        %swap3A_343 = tpu.vector_load %arg8[%swap3A_341, %swap3A_342] {strides = array<i32>} : memref<320x32xf32, #tpu.memory_space<vmem>>, vector<16xf32>,
        tpu.vector_store %arg8[%swap3A_341, %swap3A_342], %get3A_271 {strides = array<i32>} : memref<320x32xf32, #tpu.memory_space<vmem>>, vector<16xf32>,
        %add3A_344 = arith.constant 12 : i32
        %add3A_345 = arith.addi %scan3A_84, %add3A_344 : i32
        %swap3A_346 = arith.index_cast %add3A_345 : i32 to index
        %swap3A_347 = arith.constant 0 : index
        %swap3A_348 = tpu.vector_load %arg8[%swap3A_346, %swap3A_347] {strides = array<i32>} : memref<320x32xf32, #tpu.memory_space<vmem>>, vector<16xf32>,
        tpu.vector_store %arg8[%swap3A_346, %swap3A_347], %get3A_277 {strides = array<i32>} : memref<320x32xf32, #tpu.memory_space<vmem>>, vector<16xf32>,
        %swap3A_349 = arith.index_cast %add3A_345 : i32 to index
        %swap3A_350 = arith.constant 16 : index
        %swap3A_351 = tpu.vector_load %arg8[%swap3A_349, %swap3A_350] {strides = array<i32>} : memref<320x32xf32, #tpu.memory_space<vmem>>, vector<16xf32>,
        tpu.vector_store %arg8[%swap3A_349, %swap3A_350], %get3A_281 {strides = array<i32>} : memref<320x32xf32, #tpu.memory_space<vmem>>, vector<16xf32>,
        %add3A_352 = arith.constant 13 : i32
        %add3A_353 = arith.addi %scan3A_84, %add3A_352 : i32
        %swap3A_354 = arith.index_cast %add3A_353 : i32 to index
        %swap3A_355 = arith.constant 0 : index
        %swap3A_356 = tpu.vector_load %arg8[%swap3A_354, %swap3A_355] {strides = array<i32>} : memref<320x32xf32, #tpu.memory_space<vmem>>, vector<16xf32>,
        tpu.vector_store %arg8[%swap3A_354, %swap3A_355], %get3A_287 {strides = array<i32>} : memref<320x32xf32, #tpu.memory_space<vmem>>, vector<16xf32>,
        %swap3A_357 = arith.index_cast %add3A_353 : i32 to index
        %swap3A_358 = arith.constant 16 : index
        %swap3A_359 = tpu.vector_load %arg8[%swap3A_357, %swap3A_358] {strides = array<i32>} : memref<320x32xf32, #tpu.memory_space<vmem>>, vector<16xf32>,
        tpu.vector_store %arg8[%swap3A_357, %swap3A_358], %get3A_291 {strides = array<i32>} : memref<320x32xf32, #tpu.memory_space<vmem>>, vector<16xf32>,
        %add3A_360 = arith.constant 14 : i32
        %add3A_361 = arith.addi %scan3A_84, %add3A_360 : i32
        %swap3A_362 = arith.index_cast %add3A_361 : i32 to index
        %swap3A_363 = arith.constant 0 : index
        %swap3A_364 = tpu.vector_load %arg8[%swap3A_362, %swap3A_363] {strides = array<i32>} : memref<320x32xf32, #tpu.memory_space<vmem>>, vector<16xf32>,
        tpu.vector_store %arg8[%swap3A_362, %swap3A_363], %get3A_297 {strides = array<i32>} : memref<320x32xf32, #tpu.memory_space<vmem>>, vector<16xf32>,
        %swap3A_365 = arith.index_cast %add3A_361 : i32 to index
        %swap3A_366 = arith.constant 16 : index
        %swap3A_367 = tpu.vector_load %arg8[%swap3A_365, %swap3A_366] {strides = array<i32>} : memref<320x32xf32, #tpu.memory_space<vmem>>, vector<16xf32>,
        tpu.vector_store %arg8[%swap3A_365, %swap3A_366], %get3A_301 {strides = array<i32>} : memref<320x32xf32, #tpu.memory_space<vmem>>, vector<16xf32>,
        %add3A_368 = arith.constant 15 : i32
        %add3A_369 = arith.addi %scan3A_84, %add3A_368 : i32
        %swap3A_370 = arith.index_cast %add3A_369 : i32 to index
        %swap3A_371 = arith.constant 0 : index
        %swap3A_372 = tpu.vector_load %arg8[%swap3A_370, %swap3A_371] {strides = array<i32>} : memref<320x32xf32, #tpu.memory_space<vmem>>, vector<16xf32>,
        tpu.vector_store %arg8[%swap3A_370, %swap3A_371], %get3A_307 {strides = array<i32>} : memref<320x32xf32, #tpu.memory_space<vmem>>, vector<16xf32>,
        %swap3A_373 = arith.index_cast %add3A_369 : i32 to index
        %swap3A_374 = arith.constant 16 : index
        %swap3A_375 = tpu.vector_load %arg8[%swap3A_373, %swap3A_374] {strides = array<i32>} : memref<320x32xf32, #tpu.memory_space<vmem>>, vector<16xf32>,
        tpu.vector_store %arg8[%swap3A_373, %swap3A_374], %get3A_311 {strides = array<i32>} : memref<320x32xf32, #tpu.memory_space<vmem>>, vector<16xf32>,
        %add3A_376 = arith.constant 16 : i32
        %add3A_377 = arith.addi %scan3A_84, %add3A_376 : i32
        scf.yield %add3A_377 : i32
      }
      %scan3A_44 = arith.constant 20 : i32
      %dma_start3A_45 = arith.constant 0 : i32
      %dma_start3A_46 = tpu.memref_slice %arg4[%add3A_33, %dma_start3A_45] : memref<3276800x32xf32, #tpu.memory_space<hbm>> -> memref<320x32xf32, #tpu.memory_space<hbm>>
      %dma_start3A_47 = arith.constant 0 : i32
      %dma_start3A_48 = tpu.memref_slice %arg4[%add3A_33, %dma_start3A_47] : memref<3276800x32xf32, #tpu.memory_space<hbm>> -> memref<320x32xf32, #tpu.memory_space<hbm>>
      tpu.enqueue_dma source(%arg8 : memref<320x32xf32, #tpu.memory_space<vmem>>) target(%dma_start3A_48 : memref<320x32xf32, #tpu.memory_space<hbm>>) target_semaphore(%arg12 : memref<!tpu.dma_semaphore, #tpu.memory_space<semaphore_mem>>)
      %lt3A = arith.constant 159 : i32
      %lt3A_49 = arith.cmpi slt, %scan3A_26, %lt3A : i32
      %convert_element_type3A_50 = arith.extui %lt3A_49 : i1 to i32
      %cond3A_51 = arith.constant 0 : i32
      %cond3A_52 = arith.cmpi ne, %convert_element_type3A_50, %cond3A_51 : i32
      scf.if %cond3A_52 {
        %add3A_83 = arith.constant 640 : i32
        %add3A_84 = arith.addi %add3A_33, %add3A_83 : i32
        %dma_start3A_85 = tpu.memref_slice %arg2[%add3A_84] : memref<3276800xi32, #tpu.memory_space<hbm>> -> memref<320xi32, #tpu.memory_space<hbm>>
        %dma_start3A_86 = tpu.memref_slice %arg2[%add3A_84] : memref<3276800xi32, #tpu.memory_space<hbm>> -> memref<320xi32, #tpu.memory_space<hbm>>
        tpu.enqueue_dma source(%dma_start3A_86 : memref<320xi32, #tpu.memory_space<hbm>>) target(%arg6 : memref<320xi32, #tpu.memory_space<vmem>>) target_semaphore(%arg10 : memref<!tpu.dma_semaphore, #tpu.memory_space<semaphore_mem>>)
      } else {
      }
      %mul3A_53 = arith.constant 2 : i32
      %mul3A_54 = arith.muli %scan3A_26, %mul3A_53 : i32
      %add3A_55 = arith.constant 1 : i32
      %add3A_56 = arith.addi %mul3A_54, %add3A_55 : i32
      %mul3A_57 = arith.constant 320 : i32
      %mul3A_58 = arith.muli %add3A_56, %mul3A_57 : i32
      %add3A_59 = arith.addi %mul3A_2, %mul3A_58 : i32
      %dma_wait3A_60 = tpu.memref_slice %arg2[%add3A_59] : memref<3276800xi32, #tpu.memory_space<hbm>> -> memref<320xi32, #tpu.memory_space<hbm>>
      %dma_wait3A_61 = tpu.memref_slice %arg2[%add3A_59] : memref<3276800xi32, #tpu.memory_space<hbm>> -> memref<320xi32, #tpu.memory_space<hbm>>
      tpu.wait_dma2 semaphore(%arg11 : memref<!tpu.dma_semaphore, #tpu.memory_space<semaphore_mem>>) src(%dma_wait3A_61 : memref<320xi32, #tpu.memory_space<hbm>>) dst(%arg7 : memref<320xi32, #tpu.memory_space<vmem>>)
      %gt3A_62 = arith.constant 0 : i32
      %gt3A_63 = arith.cmpi sgt, %scan3A_26, %gt3A_62 : i32
      %convert_element_type3A_64 = arith.extui %gt3A_63 : i1 to i32
      %cond3A_65 = arith.constant 0 : i32
      %cond3A_66 = arith.cmpi ne, %convert_element_type3A_64, %cond3A_65 : i32
      scf.if %cond3A_66 {
        %dma_wait3A_83 = arith.constant 0 : i32
        %dma_wait3A_84 = arith.constant 0 : i32
        %dma_wait3A_85 = tpu.memref_slice %arg4[%dma_wait3A_83, %dma_wait3A_84] : memref<3276800x32xf32, #tpu.memory_space<hbm>> -> memref<320x32xf32, #tpu.memory_space<hbm>>
        %dma_wait3A_86 = arith.constant 0 : i32
        %dma_wait3A_87 = arith.constant 0 : i32
        %dma_wait3A_88 = tpu.memref_slice %arg4[%dma_wait3A_86, %dma_wait3A_87] : memref<3276800x32xf32, #tpu.memory_space<hbm>> -> memref<320x32xf32, #tpu.memory_space<hbm>>
        tpu.wait_dma2 semaphore(%arg13 : memref<!tpu.dma_semaphore, #tpu.memory_space<semaphore_mem>>) src(%arg9 : memref<320x32xf32, #tpu.memory_space<vmem>>) dst(%dma_wait3A_88 : memref<320x32xf32, #tpu.memory_space<hbm>>)
      } else {
      }
      %scan3A_67 = arith.constant 0 : i32
      %scan3A_68 = arith.constant 0 : i32
      %scan3A_69 = arith.constant 20 : i32
      %scan3A_70 = arith.addi %scan3A_68, %scan3A_69 : i32
      %scan3A_71 = arith.constant 1 : i32
      %scan3A_72 = scf.for %scan3A_83 = %scan3A_68 to %scan3A_70 step %scan3A_71 iter_args(%scan3A_84 = %scan3A_67) -> (i32)  : i32 {
        %mul3A_85 = arith.constant 16 : i32
        %mul3A_86 = arith.muli %scan3A_83, %mul3A_85 : i32
        %get3A = arith.index_cast %mul3A_86 : i32 to index
        %get3A_87 = tpu.vector_load %arg7[%get3A] {strides = array<i32>} : memref<320xi32, #tpu.memory_space<vmem>>, vector<16xi32>,
        %mul3A_88 = arith.constant 32 : i32
        %mul3A_89 = vector.broadcast %mul3A_88 : i32 to vector<16xi32>
        %mul3A_90 = arith.muli %get3A_87, %mul3A_89 : vector<16xi32>
        %slice3A = vector.extract_strided_slice %mul3A_90 {offsets = [0], sizes = [1], strides = [1]} : vector<16xi32> to vector<1xi32>
        %squeeze3A = vector.extract %slice3A[0] : i32 from vector<1xi32>
        %add3A_91 = arith.constant 0 : i32
        %add3A_92 = arith.addi %squeeze3A, %add3A_91 : i32
        %get3A_93 = arith.index_cast %add3A_92 : i32 to index
        %get3A_94 = tpu.vector_load %arg5[%get3A_93] {strides = array<i32>} : memref<704xf32, #tpu.memory_space<vmem>>, vector<16xf32>,
        %add3A_95 = arith.constant 16 : i32
        %add3A_96 = arith.addi %squeeze3A, %add3A_95 : i32
        %get3A_97 = arith.index_cast %add3A_96 : i32 to index
        %get3A_98 = tpu.vector_load %arg5[%get3A_97] {strides = array<i32>} : memref<704xf32, #tpu.memory_space<vmem>>, vector<16xf32>,
        %slice3A_99 = vector.extract_strided_slice %mul3A_90 {offsets = [1], sizes = [1], strides = [1]} : vector<16xi32> to vector<1xi32>
        %squeeze3A_100 = vector.extract %slice3A_99[0] : i32 from vector<1xi32>
        %add3A_101 = arith.constant 0 : i32
        %add3A_102 = arith.addi %squeeze3A_100, %add3A_101 : i32
        %get3A_103 = arith.index_cast %add3A_102 : i32 to index
        %get3A_104 = tpu.vector_load %arg5[%get3A_103] {strides = array<i32>} : memref<704xf32, #tpu.memory_space<vmem>>, vector<16xf32>,
        %add3A_105 = arith.constant 16 : i32
        %add3A_106 = arith.addi %squeeze3A_100, %add3A_105 : i32
        %get3A_107 = arith.index_cast %add3A_106 : i32 to index
        %get3A_108 = tpu.vector_load %arg5[%get3A_107] {strides = array<i32>} : memref<704xf32, #tpu.memory_space<vmem>>, vector<16xf32>,
        %slice3A_109 = vector.extract_strided_slice %mul3A_90 {offsets = [2], sizes = [1], strides = [1]} : vector<16xi32> to vector<1xi32>
        %squeeze3A_110 = vector.extract %slice3A_109[0] : i32 from vector<1xi32>
        %add3A_111 = arith.constant 0 : i32
        %add3A_112 = arith.addi %squeeze3A_110, %add3A_111 : i32
        %get3A_113 = arith.index_cast %add3A_112 : i32 to index
        %get3A_114 = tpu.vector_load %arg5[%get3A_113] {strides = array<i32>} : memref<704xf32, #tpu.memory_space<vmem>>, vector<16xf32>,
        %add3A_115 = arith.constant 16 : i32
        %add3A_116 = arith.addi %squeeze3A_110, %add3A_115 : i32
        %get3A_117 = arith.index_cast %add3A_116 : i32 to index
        %get3A_118 = tpu.vector_load %arg5[%get3A_117] {strides = array<i32>} : memref<704xf32, #tpu.memory_space<vmem>>, vector<16xf32>,
        %slice3A_119 = vector.extract_strided_slice %mul3A_90 {offsets = [3], sizes = [1], strides = [1]} : vector<16xi32> to vector<1xi32>
        %squeeze3A_120 = vector.extract %slice3A_119[0] : i32 from vector<1xi32>
        %add3A_121 = arith.constant 0 : i32
        %add3A_122 = arith.addi %squeeze3A_120, %add3A_121 : i32
        %get3A_123 = arith.index_cast %add3A_122 : i32 to index
        %get3A_124 = tpu.vector_load %arg5[%get3A_123] {strides = array<i32>} : memref<704xf32, #tpu.memory_space<vmem>>, vector<16xf32>,
        %add3A_125 = arith.constant 16 : i32
        %add3A_126 = arith.addi %squeeze3A_120, %add3A_125 : i32
        %get3A_127 = arith.index_cast %add3A_126 : i32 to index
        %get3A_128 = tpu.vector_load %arg5[%get3A_127] {strides = array<i32>} : memref<704xf32, #tpu.memory_space<vmem>>, vector<16xf32>,
        %slice3A_129 = vector.extract_strided_slice %mul3A_90 {offsets = [4], sizes = [1], strides = [1]} : vector<16xi32> to vector<1xi32>
        %squeeze3A_130 = vector.extract %slice3A_129[0] : i32 from vector<1xi32>
        %add3A_131 = arith.constant 0 : i32
        %add3A_132 = arith.addi %squeeze3A_130, %add3A_131 : i32
        %get3A_133 = arith.index_cast %add3A_132 : i32 to index
        %get3A_134 = tpu.vector_load %arg5[%get3A_133] {strides = array<i32>} : memref<704xf32, #tpu.memory_space<vmem>>, vector<16xf32>,
        %add3A_135 = arith.constant 16 : i32
        %add3A_136 = arith.addi %squeeze3A_130, %add3A_135 : i32
        %get3A_137 = arith.index_cast %add3A_136 : i32 to index
        %get3A_138 = tpu.vector_load %arg5[%get3A_137] {strides = array<i32>} : memref<704xf32, #tpu.memory_space<vmem>>, vector<16xf32>,
        %slice3A_139 = vector.extract_strided_slice %mul3A_90 {offsets = [5], sizes = [1], strides = [1]} : vector<16xi32> to vector<1xi32>
        %squeeze3A_140 = vector.extract %slice3A_139[0] : i32 from vector<1xi32>
        %add3A_141 = arith.constant 0 : i32
        %add3A_142 = arith.addi %squeeze3A_140, %add3A_141 : i32
        %get3A_143 = arith.index_cast %add3A_142 : i32 to index
        %get3A_144 = tpu.vector_load %arg5[%get3A_143] {strides = array<i32>} : memref<704xf32, #tpu.memory_space<vmem>>, vector<16xf32>,
        %add3A_145 = arith.constant 16 : i32
        %add3A_146 = arith.addi %squeeze3A_140, %add3A_145 : i32
        %get3A_147 = arith.index_cast %add3A_146 : i32 to index
        %get3A_148 = tpu.vector_load %arg5[%get3A_147] {strides = array<i32>} : memref<704xf32, #tpu.memory_space<vmem>>, vector<16xf32>,
        %slice3A_149 = vector.extract_strided_slice %mul3A_90 {offsets = [6], sizes = [1], strides = [1]} : vector<16xi32> to vector<1xi32>
        %squeeze3A_150 = vector.extract %slice3A_149[0] : i32 from vector<1xi32>
        %add3A_151 = arith.constant 0 : i32
        %add3A_152 = arith.addi %squeeze3A_150, %add3A_151 : i32
        %get3A_153 = arith.index_cast %add3A_152 : i32 to index
        %get3A_154 = tpu.vector_load %arg5[%get3A_153] {strides = array<i32>} : memref<704xf32, #tpu.memory_space<vmem>>, vector<16xf32>,
        %add3A_155 = arith.constant 16 : i32
        %add3A_156 = arith.addi %squeeze3A_150, %add3A_155 : i32
        %get3A_157 = arith.index_cast %add3A_156 : i32 to index
        %get3A_158 = tpu.vector_load %arg5[%get3A_157] {strides = array<i32>} : memref<704xf32, #tpu.memory_space<vmem>>, vector<16xf32>,
        %slice3A_159 = vector.extract_strided_slice %mul3A_90 {offsets = [7], sizes = [1], strides = [1]} : vector<16xi32> to vector<1xi32>
        %squeeze3A_160 = vector.extract %slice3A_159[0] : i32 from vector<1xi32>
        %add3A_161 = arith.constant 0 : i32
        %add3A_162 = arith.addi %squeeze3A_160, %add3A_161 : i32
        %get3A_163 = arith.index_cast %add3A_162 : i32 to index
        %get3A_164 = tpu.vector_load %arg5[%get3A_163] {strides = array<i32>} : memref<704xf32, #tpu.memory_space<vmem>>, vector<16xf32>,
        %add3A_165 = arith.constant 16 : i32
        %add3A_166 = arith.addi %squeeze3A_160, %add3A_165 : i32
        %get3A_167 = arith.index_cast %add3A_166 : i32 to index
        %get3A_168 = tpu.vector_load %arg5[%get3A_167] {strides = array<i32>} : memref<704xf32, #tpu.memory_space<vmem>>, vector<16xf32>,
        %add3A_169 = arith.constant 0 : i32
        %add3A_170 = arith.addi %scan3A_84, %add3A_169 : i32
        %swap3A = arith.index_cast %add3A_170 : i32 to index
        %swap3A_171 = arith.constant 0 : index
        %swap3A_172 = tpu.vector_load %arg9[%swap3A, %swap3A_171] {strides = array<i32>} : memref<320x32xf32, #tpu.memory_space<vmem>>, vector<16xf32>,
        tpu.vector_store %arg9[%swap3A, %swap3A_171], %get3A_94 {strides = array<i32>} : memref<320x32xf32, #tpu.memory_space<vmem>>, vector<16xf32>,
        %swap3A_173 = arith.index_cast %add3A_170 : i32 to index
        %swap3A_174 = arith.constant 16 : index
        %swap3A_175 = tpu.vector_load %arg9[%swap3A_173, %swap3A_174] {strides = array<i32>} : memref<320x32xf32, #tpu.memory_space<vmem>>, vector<16xf32>,
        tpu.vector_store %arg9[%swap3A_173, %swap3A_174], %get3A_98 {strides = array<i32>} : memref<320x32xf32, #tpu.memory_space<vmem>>, vector<16xf32>,
        %add3A_176 = arith.constant 1 : i32
        %add3A_177 = arith.addi %scan3A_84, %add3A_176 : i32
        %swap3A_178 = arith.index_cast %add3A_177 : i32 to index
        %swap3A_179 = arith.constant 0 : index
        %swap3A_180 = tpu.vector_load %arg9[%swap3A_178, %swap3A_179] {strides = array<i32>} : memref<320x32xf32, #tpu.memory_space<vmem>>, vector<16xf32>,
        tpu.vector_store %arg9[%swap3A_178, %swap3A_179], %get3A_104 {strides = array<i32>} : memref<320x32xf32, #tpu.memory_space<vmem>>, vector<16xf32>,
        %swap3A_181 = arith.index_cast %add3A_177 : i32 to index
        %swap3A_182 = arith.constant 16 : index
        %swap3A_183 = tpu.vector_load %arg9[%swap3A_181, %swap3A_182] {strides = array<i32>} : memref<320x32xf32, #tpu.memory_space<vmem>>, vector<16xf32>,
        tpu.vector_store %arg9[%swap3A_181, %swap3A_182], %get3A_108 {strides = array<i32>} : memref<320x32xf32, #tpu.memory_space<vmem>>, vector<16xf32>,
        %add3A_184 = arith.constant 2 : i32
        %add3A_185 = arith.addi %scan3A_84, %add3A_184 : i32
        %swap3A_186 = arith.index_cast %add3A_185 : i32 to index
        %swap3A_187 = arith.constant 0 : index
        %swap3A_188 = tpu.vector_load %arg9[%swap3A_186, %swap3A_187] {strides = array<i32>} : memref<320x32xf32, #tpu.memory_space<vmem>>, vector<16xf32>,
        tpu.vector_store %arg9[%swap3A_186, %swap3A_187], %get3A_114 {strides = array<i32>} : memref<320x32xf32, #tpu.memory_space<vmem>>, vector<16xf32>,
        %swap3A_189 = arith.index_cast %add3A_185 : i32 to index
        %swap3A_190 = arith.constant 16 : index
        %swap3A_191 = tpu.vector_load %arg9[%swap3A_189, %swap3A_190] {strides = array<i32>} : memref<320x32xf32, #tpu.memory_space<vmem>>, vector<16xf32>,
        tpu.vector_store %arg9[%swap3A_189, %swap3A_190], %get3A_118 {strides = array<i32>} : memref<320x32xf32, #tpu.memory_space<vmem>>, vector<16xf32>,
        %add3A_192 = arith.constant 3 : i32
        %add3A_193 = arith.addi %scan3A_84, %add3A_192 : i32
        %swap3A_194 = arith.index_cast %add3A_193 : i32 to index
        %swap3A_195 = arith.constant 0 : index
        %swap3A_196 = tpu.vector_load %arg9[%swap3A_194, %swap3A_195] {strides = array<i32>} : memref<320x32xf32, #tpu.memory_space<vmem>>, vector<16xf32>,
        tpu.vector_store %arg9[%swap3A_194, %swap3A_195], %get3A_124 {strides = array<i32>} : memref<320x32xf32, #tpu.memory_space<vmem>>, vector<16xf32>,
        %swap3A_197 = arith.index_cast %add3A_193 : i32 to index
        %swap3A_198 = arith.constant 16 : index
        %swap3A_199 = tpu.vector_load %arg9[%swap3A_197, %swap3A_198] {strides = array<i32>} : memref<320x32xf32, #tpu.memory_space<vmem>>, vector<16xf32>,
        tpu.vector_store %arg9[%swap3A_197, %swap3A_198], %get3A_128 {strides = array<i32>} : memref<320x32xf32, #tpu.memory_space<vmem>>, vector<16xf32>,
        %add3A_200 = arith.constant 4 : i32
        %add3A_201 = arith.addi %scan3A_84, %add3A_200 : i32
        %swap3A_202 = arith.index_cast %add3A_201 : i32 to index
        %swap3A_203 = arith.constant 0 : index
        %swap3A_204 = tpu.vector_load %arg9[%swap3A_202, %swap3A_203] {strides = array<i32>} : memref<320x32xf32, #tpu.memory_space<vmem>>, vector<16xf32>,
        tpu.vector_store %arg9[%swap3A_202, %swap3A_203], %get3A_134 {strides = array<i32>} : memref<320x32xf32, #tpu.memory_space<vmem>>, vector<16xf32>,
        %swap3A_205 = arith.index_cast %add3A_201 : i32 to index
        %swap3A_206 = arith.constant 16 : index
        %swap3A_207 = tpu.vector_load %arg9[%swap3A_205, %swap3A_206] {strides = array<i32>} : memref<320x32xf32, #tpu.memory_space<vmem>>, vector<16xf32>,
        tpu.vector_store %arg9[%swap3A_205, %swap3A_206], %get3A_138 {strides = array<i32>} : memref<320x32xf32, #tpu.memory_space<vmem>>, vector<16xf32>,
        %add3A_208 = arith.constant 5 : i32
        %add3A_209 = arith.addi %scan3A_84, %add3A_208 : i32
        %swap3A_210 = arith.index_cast %add3A_209 : i32 to index
        %swap3A_211 = arith.constant 0 : index
        %swap3A_212 = tpu.vector_load %arg9[%swap3A_210, %swap3A_211] {strides = array<i32>} : memref<320x32xf32, #tpu.memory_space<vmem>>, vector<16xf32>,
        tpu.vector_store %arg9[%swap3A_210, %swap3A_211], %get3A_144 {strides = array<i32>} : memref<320x32xf32, #tpu.memory_space<vmem>>, vector<16xf32>,
        %swap3A_213 = arith.index_cast %add3A_209 : i32 to index
        %swap3A_214 = arith.constant 16 : index
        %swap3A_215 = tpu.vector_load %arg9[%swap3A_213, %swap3A_214] {strides = array<i32>} : memref<320x32xf32, #tpu.memory_space<vmem>>, vector<16xf32>,
        tpu.vector_store %arg9[%swap3A_213, %swap3A_214], %get3A_148 {strides = array<i32>} : memref<320x32xf32, #tpu.memory_space<vmem>>, vector<16xf32>,
        %add3A_216 = arith.constant 6 : i32
        %add3A_217 = arith.addi %scan3A_84, %add3A_216 : i32
        %swap3A_218 = arith.index_cast %add3A_217 : i32 to index
        %swap3A_219 = arith.constant 0 : index
        %swap3A_220 = tpu.vector_load %arg9[%swap3A_218, %swap3A_219] {strides = array<i32>} : memref<320x32xf32, #tpu.memory_space<vmem>>, vector<16xf32>,
        tpu.vector_store %arg9[%swap3A_218, %swap3A_219], %get3A_154 {strides = array<i32>} : memref<320x32xf32, #tpu.memory_space<vmem>>, vector<16xf32>,
        %swap3A_221 = arith.index_cast %add3A_217 : i32 to index
        %swap3A_222 = arith.constant 16 : index
        %swap3A_223 = tpu.vector_load %arg9[%swap3A_221, %swap3A_222] {strides = array<i32>} : memref<320x32xf32, #tpu.memory_space<vmem>>, vector<16xf32>,
        tpu.vector_store %arg9[%swap3A_221, %swap3A_222], %get3A_158 {strides = array<i32>} : memref<320x32xf32, #tpu.memory_space<vmem>>, vector<16xf32>,
        %add3A_224 = arith.constant 7 : i32
        %add3A_225 = arith.addi %scan3A_84, %add3A_224 : i32
        %swap3A_226 = arith.index_cast %add3A_225 : i32 to index
        %swap3A_227 = arith.constant 0 : index
        %swap3A_228 = tpu.vector_load %arg9[%swap3A_226, %swap3A_227] {strides = array<i32>} : memref<320x32xf32, #tpu.memory_space<vmem>>, vector<16xf32>,
        tpu.vector_store %arg9[%swap3A_226, %swap3A_227], %get3A_164 {strides = array<i32>} : memref<320x32xf32, #tpu.memory_space<vmem>>, vector<16xf32>,
        %swap3A_229 = arith.index_cast %add3A_225 : i32 to index
        %swap3A_230 = arith.constant 16 : index
        %swap3A_231 = tpu.vector_load %arg9[%swap3A_229, %swap3A_230] {strides = array<i32>} : memref<320x32xf32, #tpu.memory_space<vmem>>, vector<16xf32>,
        tpu.vector_store %arg9[%swap3A_229, %swap3A_230], %get3A_168 {strides = array<i32>} : memref<320x32xf32, #tpu.memory_space<vmem>>, vector<16xf32>,
        %slice3A_232 = vector.extract_strided_slice %mul3A_90 {offsets = [8], sizes = [1], strides = [1]} : vector<16xi32> to vector<1xi32>
        %squeeze3A_233 = vector.extract %slice3A_232[0] : i32 from vector<1xi32>
        %add3A_234 = arith.constant 0 : i32
        %add3A_235 = arith.addi %squeeze3A_233, %add3A_234 : i32
        %get3A_236 = arith.index_cast %add3A_235 : i32 to index
        %get3A_237 = tpu.vector_load %arg5[%get3A_236] {strides = array<i32>} : memref<704xf32, #tpu.memory_space<vmem>>, vector<16xf32>,
        %add3A_238 = arith.constant 16 : i32
        %add3A_239 = arith.addi %squeeze3A_233, %add3A_238 : i32
        %get3A_240 = arith.index_cast %add3A_239 : i32 to index
        %get3A_241 = tpu.vector_load %arg5[%get3A_240] {strides = array<i32>} : memref<704xf32, #tpu.memory_space<vmem>>, vector<16xf32>,
        %slice3A_242 = vector.extract_strided_slice %mul3A_90 {offsets = [9], sizes = [1], strides = [1]} : vector<16xi32> to vector<1xi32>
        %squeeze3A_243 = vector.extract %slice3A_242[0] : i32 from vector<1xi32>
        %add3A_244 = arith.constant 0 : i32
        %add3A_245 = arith.addi %squeeze3A_243, %add3A_244 : i32
        %get3A_246 = arith.index_cast %add3A_245 : i32 to index
        %get3A_247 = tpu.vector_load %arg5[%get3A_246] {strides = array<i32>} : memref<704xf32, #tpu.memory_space<vmem>>, vector<16xf32>,
        %add3A_248 = arith.constant 16 : i32
        %add3A_249 = arith.addi %squeeze3A_243, %add3A_248 : i32
        %get3A_250 = arith.index_cast %add3A_249 : i32 to index
        %get3A_251 = tpu.vector_load %arg5[%get3A_250] {strides = array<i32>} : memref<704xf32, #tpu.memory_space<vmem>>, vector<16xf32>,
        %slice3A_252 = vector.extract_strided_slice %mul3A_90 {offsets = [10], sizes = [1], strides = [1]} : vector<16xi32> to vector<1xi32>
        %squeeze3A_253 = vector.extract %slice3A_252[0] : i32 from vector<1xi32>
        %add3A_254 = arith.constant 0 : i32
        %add3A_255 = arith.addi %squeeze3A_253, %add3A_254 : i32
        %get3A_256 = arith.index_cast %add3A_255 : i32 to index
        %get3A_257 = tpu.vector_load %arg5[%get3A_256] {strides = array<i32>} : memref<704xf32, #tpu.memory_space<vmem>>, vector<16xf32>,
        %add3A_258 = arith.constant 16 : i32
        %add3A_259 = arith.addi %squeeze3A_253, %add3A_258 : i32
        %get3A_260 = arith.index_cast %add3A_259 : i32 to index
        %get3A_261 = tpu.vector_load %arg5[%get3A_260] {strides = array<i32>} : memref<704xf32, #tpu.memory_space<vmem>>, vector<16xf32>,
        %slice3A_262 = vector.extract_strided_slice %mul3A_90 {offsets = [11], sizes = [1], strides = [1]} : vector<16xi32> to vector<1xi32>
        %squeeze3A_263 = vector.extract %slice3A_262[0] : i32 from vector<1xi32>
        %add3A_264 = arith.constant 0 : i32
        %add3A_265 = arith.addi %squeeze3A_263, %add3A_264 : i32
        %get3A_266 = arith.index_cast %add3A_265 : i32 to index
        %get3A_267 = tpu.vector_load %arg5[%get3A_266] {strides = array<i32>} : memref<704xf32, #tpu.memory_space<vmem>>, vector<16xf32>,
        %add3A_268 = arith.constant 16 : i32
        %add3A_269 = arith.addi %squeeze3A_263, %add3A_268 : i32
        %get3A_270 = arith.index_cast %add3A_269 : i32 to index
        %get3A_271 = tpu.vector_load %arg5[%get3A_270] {strides = array<i32>} : memref<704xf32, #tpu.memory_space<vmem>>, vector<16xf32>,
        %slice3A_272 = vector.extract_strided_slice %mul3A_90 {offsets = [12], sizes = [1], strides = [1]} : vector<16xi32> to vector<1xi32>
        %squeeze3A_273 = vector.extract %slice3A_272[0] : i32 from vector<1xi32>
        %add3A_274 = arith.constant 0 : i32
        %add3A_275 = arith.addi %squeeze3A_273, %add3A_274 : i32
        %get3A_276 = arith.index_cast %add3A_275 : i32 to index
        %get3A_277 = tpu.vector_load %arg5[%get3A_276] {strides = array<i32>} : memref<704xf32, #tpu.memory_space<vmem>>, vector<16xf32>,
        %add3A_278 = arith.constant 16 : i32
        %add3A_279 = arith.addi %squeeze3A_273, %add3A_278 : i32
        %get3A_280 = arith.index_cast %add3A_279 : i32 to index
        %get3A_281 = tpu.vector_load %arg5[%get3A_280] {strides = array<i32>} : memref<704xf32, #tpu.memory_space<vmem>>, vector<16xf32>,
        %slice3A_282 = vector.extract_strided_slice %mul3A_90 {offsets = [13], sizes = [1], strides = [1]} : vector<16xi32> to vector<1xi32>
        %squeeze3A_283 = vector.extract %slice3A_282[0] : i32 from vector<1xi32>
        %add3A_284 = arith.constant 0 : i32
        %add3A_285 = arith.addi %squeeze3A_283, %add3A_284 : i32
        %get3A_286 = arith.index_cast %add3A_285 : i32 to index
        %get3A_287 = tpu.vector_load %arg5[%get3A_286] {strides = array<i32>} : memref<704xf32, #tpu.memory_space<vmem>>, vector<16xf32>,
        %add3A_288 = arith.constant 16 : i32
        %add3A_289 = arith.addi %squeeze3A_283, %add3A_288 : i32
        %get3A_290 = arith.index_cast %add3A_289 : i32 to index
        %get3A_291 = tpu.vector_load %arg5[%get3A_290] {strides = array<i32>} : memref<704xf32, #tpu.memory_space<vmem>>, vector<16xf32>,
        %slice3A_292 = vector.extract_strided_slice %mul3A_90 {offsets = [14], sizes = [1], strides = [1]} : vector<16xi32> to vector<1xi32>
        %squeeze3A_293 = vector.extract %slice3A_292[0] : i32 from vector<1xi32>
        %add3A_294 = arith.constant 0 : i32
        %add3A_295 = arith.addi %squeeze3A_293, %add3A_294 : i32
        %get3A_296 = arith.index_cast %add3A_295 : i32 to index
        %get3A_297 = tpu.vector_load %arg5[%get3A_296] {strides = array<i32>} : memref<704xf32, #tpu.memory_space<vmem>>, vector<16xf32>,
        %add3A_298 = arith.constant 16 : i32
        %add3A_299 = arith.addi %squeeze3A_293, %add3A_298 : i32
        %get3A_300 = arith.index_cast %add3A_299 : i32 to index
        %get3A_301 = tpu.vector_load %arg5[%get3A_300] {strides = array<i32>} : memref<704xf32, #tpu.memory_space<vmem>>, vector<16xf32>,
        %slice3A_302 = vector.extract_strided_slice %mul3A_90 {offsets = [15], sizes = [1], strides = [1]} : vector<16xi32> to vector<1xi32>
        %squeeze3A_303 = vector.extract %slice3A_302[0] : i32 from vector<1xi32>
        %add3A_304 = arith.constant 0 : i32
        %add3A_305 = arith.addi %squeeze3A_303, %add3A_304 : i32
        %get3A_306 = arith.index_cast %add3A_305 : i32 to index
        %get3A_307 = tpu.vector_load %arg5[%get3A_306] {strides = array<i32>} : memref<704xf32, #tpu.memory_space<vmem>>, vector<16xf32>,
        %add3A_308 = arith.constant 16 : i32
        %add3A_309 = arith.addi %squeeze3A_303, %add3A_308 : i32
        %get3A_310 = arith.index_cast %add3A_309 : i32 to index
        %get3A_311 = tpu.vector_load %arg5[%get3A_310] {strides = array<i32>} : memref<704xf32, #tpu.memory_space<vmem>>, vector<16xf32>,
        %add3A_312 = arith.constant 8 : i32
        %add3A_313 = arith.addi %scan3A_84, %add3A_312 : i32
        %swap3A_314 = arith.index_cast %add3A_313 : i32 to index
        %swap3A_315 = arith.constant 0 : index
        %swap3A_316 = tpu.vector_load %arg9[%swap3A_314, %swap3A_315] {strides = array<i32>} : memref<320x32xf32, #tpu.memory_space<vmem>>, vector<16xf32>,
        tpu.vector_store %arg9[%swap3A_314, %swap3A_315], %get3A_237 {strides = array<i32>} : memref<320x32xf32, #tpu.memory_space<vmem>>, vector<16xf32>,
        %swap3A_317 = arith.index_cast %add3A_313 : i32 to index
        %swap3A_318 = arith.constant 16 : index
        %swap3A_319 = tpu.vector_load %arg9[%swap3A_317, %swap3A_318] {strides = array<i32>} : memref<320x32xf32, #tpu.memory_space<vmem>>, vector<16xf32>,
        tpu.vector_store %arg9[%swap3A_317, %swap3A_318], %get3A_241 {strides = array<i32>} : memref<320x32xf32, #tpu.memory_space<vmem>>, vector<16xf32>,
        %add3A_320 = arith.constant 9 : i32
        %add3A_321 = arith.addi %scan3A_84, %add3A_320 : i32
        %swap3A_322 = arith.index_cast %add3A_321 : i32 to index
        %swap3A_323 = arith.constant 0 : index
        %swap3A_324 = tpu.vector_load %arg9[%swap3A_322, %swap3A_323] {strides = array<i32>} : memref<320x32xf32, #tpu.memory_space<vmem>>, vector<16xf32>,
        tpu.vector_store %arg9[%swap3A_322, %swap3A_323], %get3A_247 {strides = array<i32>} : memref<320x32xf32, #tpu.memory_space<vmem>>, vector<16xf32>,
        %swap3A_325 = arith.index_cast %add3A_321 : i32 to index
        %swap3A_326 = arith.constant 16 : index
        %swap3A_327 = tpu.vector_load %arg9[%swap3A_325, %swap3A_326] {strides = array<i32>} : memref<320x32xf32, #tpu.memory_space<vmem>>, vector<16xf32>,
        tpu.vector_store %arg9[%swap3A_325, %swap3A_326], %get3A_251 {strides = array<i32>} : memref<320x32xf32, #tpu.memory_space<vmem>>, vector<16xf32>,
        %add3A_328 = arith.constant 10 : i32
        %add3A_329 = arith.addi %scan3A_84, %add3A_328 : i32
        %swap3A_330 = arith.index_cast %add3A_329 : i32 to index
        %swap3A_331 = arith.constant 0 : index
        %swap3A_332 = tpu.vector_load %arg9[%swap3A_330, %swap3A_331] {strides = array<i32>} : memref<320x32xf32, #tpu.memory_space<vmem>>, vector<16xf32>,
        tpu.vector_store %arg9[%swap3A_330, %swap3A_331], %get3A_257 {strides = array<i32>} : memref<320x32xf32, #tpu.memory_space<vmem>>, vector<16xf32>,
        %swap3A_333 = arith.index_cast %add3A_329 : i32 to index
        %swap3A_334 = arith.constant 16 : index
        %swap3A_335 = tpu.vector_load %arg9[%swap3A_333, %swap3A_334] {strides = array<i32>} : memref<320x32xf32, #tpu.memory_space<vmem>>, vector<16xf32>,
        tpu.vector_store %arg9[%swap3A_333, %swap3A_334], %get3A_261 {strides = array<i32>} : memref<320x32xf32, #tpu.memory_space<vmem>>, vector<16xf32>,
        %add3A_336 = arith.constant 11 : i32
        %add3A_337 = arith.addi %scan3A_84, %add3A_336 : i32
        %swap3A_338 = arith.index_cast %add3A_337 : i32 to index
        %swap3A_339 = arith.constant 0 : index
        %swap3A_340 = tpu.vector_load %arg9[%swap3A_338, %swap3A_339] {strides = array<i32>} : memref<320x32xf32, #tpu.memory_space<vmem>>, vector<16xf32>,
        tpu.vector_store %arg9[%swap3A_338, %swap3A_339], %get3A_267 {strides = array<i32>} : memref<320x32xf32, #tpu.memory_space<vmem>>, vector<16xf32>,
        %swap3A_341 = arith.index_cast %add3A_337 : i32 to index
        %swap3A_342 = arith.constant 16 : index
        %swap3A_343 = tpu.vector_load %arg9[%swap3A_341, %swap3A_342] {strides = array<i32>} : memref<320x32xf32, #tpu.memory_space<vmem>>, vector<16xf32>,
        tpu.vector_store %arg9[%swap3A_341, %swap3A_342], %get3A_271 {strides = array<i32>} : memref<320x32xf32, #tpu.memory_space<vmem>>, vector<16xf32>,
        %add3A_344 = arith.constant 12 : i32
        %add3A_345 = arith.addi %scan3A_84, %add3A_344 : i32
        %swap3A_346 = arith.index_cast %add3A_345 : i32 to index
        %swap3A_347 = arith.constant 0 : index
        %swap3A_348 = tpu.vector_load %arg9[%swap3A_346, %swap3A_347] {strides = array<i32>} : memref<320x32xf32, #tpu.memory_space<vmem>>, vector<16xf32>,
        tpu.vector_store %arg9[%swap3A_346, %swap3A_347], %get3A_277 {strides = array<i32>} : memref<320x32xf32, #tpu.memory_space<vmem>>, vector<16xf32>,
        %swap3A_349 = arith.index_cast %add3A_345 : i32 to index
        %swap3A_350 = arith.constant 16 : index
        %swap3A_351 = tpu.vector_load %arg9[%swap3A_349, %swap3A_350] {strides = array<i32>} : memref<320x32xf32, #tpu.memory_space<vmem>>, vector<16xf32>,
        tpu.vector_store %arg9[%swap3A_349, %swap3A_350], %get3A_281 {strides = array<i32>} : memref<320x32xf32, #tpu.memory_space<vmem>>, vector<16xf32>,
        %add3A_352 = arith.constant 13 : i32
        %add3A_353 = arith.addi %scan3A_84, %add3A_352 : i32
        %swap3A_354 = arith.index_cast %add3A_353 : i32 to index
        %swap3A_355 = arith.constant 0 : index
        %swap3A_356 = tpu.vector_load %arg9[%swap3A_354, %swap3A_355] {strides = array<i32>} : memref<320x32xf32, #tpu.memory_space<vmem>>, vector<16xf32>,
        tpu.vector_store %arg9[%swap3A_354, %swap3A_355], %get3A_287 {strides = array<i32>} : memref<320x32xf32, #tpu.memory_space<vmem>>, vector<16xf32>,
        %swap3A_357 = arith.index_cast %add3A_353 : i32 to index
        %swap3A_358 = arith.constant 16 : index
        %swap3A_359 = tpu.vector_load %arg9[%swap3A_357, %swap3A_358] {strides = array<i32>} : memref<320x32xf32, #tpu.memory_space<vmem>>, vector<16xf32>,
        tpu.vector_store %arg9[%swap3A_357, %swap3A_358], %get3A_291 {strides = array<i32>} : memref<320x32xf32, #tpu.memory_space<vmem>>, vector<16xf32>,
        %add3A_360 = arith.constant 14 : i32
        %add3A_361 = arith.addi %scan3A_84, %add3A_360 : i32
        %swap3A_362 = arith.index_cast %add3A_361 : i32 to index
        %swap3A_363 = arith.constant 0 : index
        %swap3A_364 = tpu.vector_load %arg9[%swap3A_362, %swap3A_363] {strides = array<i32>} : memref<320x32xf32, #tpu.memory_space<vmem>>, vector<16xf32>,
        tpu.vector_store %arg9[%swap3A_362, %swap3A_363], %get3A_297 {strides = array<i32>} : memref<320x32xf32, #tpu.memory_space<vmem>>, vector<16xf32>,
        %swap3A_365 = arith.index_cast %add3A_361 : i32 to index
        %swap3A_366 = arith.constant 16 : index
        %swap3A_367 = tpu.vector_load %arg9[%swap3A_365, %swap3A_366] {strides = array<i32>} : memref<320x32xf32, #tpu.memory_space<vmem>>, vector<16xf32>,
        tpu.vector_store %arg9[%swap3A_365, %swap3A_366], %get3A_301 {strides = array<i32>} : memref<320x32xf32, #tpu.memory_space<vmem>>, vector<16xf32>,
        %add3A_368 = arith.constant 15 : i32
        %add3A_369 = arith.addi %scan3A_84, %add3A_368 : i32
        %swap3A_370 = arith.index_cast %add3A_369 : i32 to index
        %swap3A_371 = arith.constant 0 : index
        %swap3A_372 = tpu.vector_load %arg9[%swap3A_370, %swap3A_371] {strides = array<i32>} : memref<320x32xf32, #tpu.memory_space<vmem>>, vector<16xf32>,
        tpu.vector_store %arg9[%swap3A_370, %swap3A_371], %get3A_307 {strides = array<i32>} : memref<320x32xf32, #tpu.memory_space<vmem>>, vector<16xf32>,
        %swap3A_373 = arith.index_cast %add3A_369 : i32 to index
        %swap3A_374 = arith.constant 16 : index
        %swap3A_375 = tpu.vector_load %arg9[%swap3A_373, %swap3A_374] {strides = array<i32>} : memref<320x32xf32, #tpu.memory_space<vmem>>, vector<16xf32>,
        tpu.vector_store %arg9[%swap3A_373, %swap3A_374], %get3A_311 {strides = array<i32>} : memref<320x32xf32, #tpu.memory_space<vmem>>, vector<16xf32>,
        %add3A_376 = arith.constant 16 : i32
        %add3A_377 = arith.addi %scan3A_84, %add3A_376 : i32
        scf.yield %add3A_377 : i32
      }
      %scan3A_73 = arith.constant 20 : i32
      %dma_start3A_74 = arith.constant 0 : i32
      %dma_start3A_75 = tpu.memref_slice %arg4[%add3A_59, %dma_start3A_74] : memref<3276800x32xf32, #tpu.memory_space<hbm>> -> memref<320x32xf32, #tpu.memory_space<hbm>>
      %dma_start3A_76 = arith.constant 0 : i32
      %dma_start3A_77 = tpu.memref_slice %arg4[%add3A_59, %dma_start3A_76] : memref<3276800x32xf32, #tpu.memory_space<hbm>> -> memref<320x32xf32, #tpu.memory_space<hbm>>
      tpu.enqueue_dma source(%arg9 : memref<320x32xf32, #tpu.memory_space<vmem>>) target(%dma_start3A_77 : memref<320x32xf32, #tpu.memory_space<hbm>>) target_semaphore(%arg13 : memref<!tpu.dma_semaphore, #tpu.memory_space<semaphore_mem>>)
      %lt3A_78 = arith.constant 159 : i32
      %lt3A_79 = arith.cmpi slt, %scan3A_26, %lt3A_78 : i32
      %convert_element_type3A_80 = arith.extui %lt3A_79 : i1 to i32
      %cond3A_81 = arith.constant 0 : i32
      %cond3A_82 = arith.cmpi ne, %convert_element_type3A_80, %cond3A_81 : i32
      scf.if %cond3A_82 {
        %add3A_83 = arith.constant 640 : i32
        %add3A_84 = arith.addi %add3A_59, %add3A_83 : i32
        %dma_start3A_85 = tpu.memref_slice %arg2[%add3A_84] : memref<3276800xi32, #tpu.memory_space<hbm>> -> memref<320xi32, #tpu.memory_space<hbm>>
        %dma_start3A_86 = tpu.memref_slice %arg2[%add3A_84] : memref<3276800xi32, #tpu.memory_space<hbm>> -> memref<320xi32, #tpu.memory_space<hbm>>
        tpu.enqueue_dma source(%dma_start3A_86 : memref<320xi32, #tpu.memory_space<hbm>>) target(%arg7 : memref<320xi32, #tpu.memory_space<vmem>>) target_semaphore(%arg11 : memref<!tpu.dma_semaphore, #tpu.memory_space<semaphore_mem>>)
      } else {
      }
    }
    %scan3A_14 = arith.constant 160 : i32
    %dma_wait3A = arith.constant 0 : i32
    %dma_wait3A_15 = arith.constant 0 : i32
    %dma_wait3A_16 = tpu.memref_slice %arg4[%dma_wait3A, %dma_wait3A_15] : memref<3276800x32xf32, #tpu.memory_space<hbm>> -> memref<320x32xf32, #tpu.memory_space<hbm>>
    %dma_wait3A_17 = arith.constant 0 : i32
    %dma_wait3A_18 = arith.constant 0 : i32
    %dma_wait3A_19 = tpu.memref_slice %arg4[%dma_wait3A_17, %dma_wait3A_18] : memref<3276800x32xf32, #tpu.memory_space<hbm>> -> memref<320x32xf32, #tpu.memory_space<hbm>>
    tpu.wait_dma2 semaphore(%arg12 : memref<!tpu.dma_semaphore, #tpu.memory_space<semaphore_mem>>) src(%arg8 : memref<320x32xf32, #tpu.memory_space<vmem>>) dst(%dma_wait3A_19 : memref<320x32xf32, #tpu.memory_space<hbm>>)
    %dma_wait3A_20 = arith.constant 0 : i32
    %dma_wait3A_21 = arith.constant 0 : i32
    %dma_wait3A_22 = tpu.memref_slice %arg4[%dma_wait3A_20, %dma_wait3A_21] : memref<3276800x32xf32, #tpu.memory_space<hbm>> -> memref<320x32xf32, #tpu.memory_space<hbm>>
    %dma_wait3A_23 = arith.constant 0 : i32
    %dma_wait3A_24 = arith.constant 0 : i32
    %dma_wait3A_25 = tpu.memref_slice %arg4[%dma_wait3A_23, %dma_wait3A_24] : memref<3276800x32xf32, #tpu.memory_space<hbm>> -> memref<320x32xf32, #tpu.memory_space<hbm>>
    tpu.wait_dma2 semaphore(%arg13 : memref<!tpu.dma_semaphore, #tpu.memory_space<semaphore_mem>>) src(%arg9 : memref<320x32xf32, #tpu.memory_space<vmem>>) dst(%dma_wait3A_25 : memref<320x32xf32, #tpu.memory_space<hbm>>)
    return
  }
}

</mosaic_0001>

<sc_bundles>
// kernel: kernel.3.cloned.1.call-start
scs
__scs_entry_jumppad:
0x0: {  	(pc) =	sbr.rel $0x88, $3  }
0x1: {  	(tag) =	ssettag $0x0;
	lr =	simm.s32 $0x1  }
0x2: {  	[smem:$0x3F9F] =	sst lr;
	_ =	strace $0xD0000000  }
0x3: {  	_ = 	snop  }
0x4: {  	_ = 	snop  }
0x5: {  	_ = 	snop  }
0x6: {  	_ = 	snop  }
0x7: {  	_ = 	snop  }
__scs_overlays_trampoline_lowered:
0x8: {  	[smem:$0x3FAE] =	sst s0  }
0x9: {  	[smem:$0x3FAF] =	sst s1  }
0xa: {  	[smem:$0x3FB0] =	sst s2  }
0xb: {  	[smem:$0x3FB1] =	sst s3  }
0xc: {  	[smem:$0x3FB2] =	sst s4  }
0xd: {  	[smem:$0x3FB3] =	sst s5  }
0xe: {  	[smem:$0x3FB4] =	sst s6  }
0xf: {  	[smem:$0x3FB5] =	sst s7  }
0x10: {  	[smem:$0x3FB6] =	sst s8  }
0x11: {  	[smem:$0x3FB7] =	sst s9;
	s0 =	simm.s32 @!p0 $0x0  }
0x12: {  	s1 =	sld [smem:$0x3F9D];
	s0 =	simm.s32 @p0 $0x1  }
0x13: {  	[smem:$0x3FB8] =	sst s0;
	s0 =	simm.s32 @!p1 $0x0  }
0x14: {  	s2 =	sld [smem:$0x3F9C];
	s0 =	simm.s32 @p1 $0x1  }
0x15: {  	[smem:$0x3FB9] =	sst s0;
	s0 =	simm.s32 @!p2 $0x0  }
0x16: {  	s3 =	sld [smem:$0x3FDB];
	s0 =	simm.s32 @p2 $0x1  }
0x17: {  	s4 =	simm.s32 $0x1BF5;
	[smem:$0x3FBB] =	sst s0  }
0x18: {  	s0 =	sld [smem:$0x3F9E];
	_ =	swait.ge [sflag:s4], $0x0  }
0x19: {  	s7 =	sld [smem:$0x3F9F]  }
0x1a: {  	s8 =	sadd.s32 $0xFFFFE003, lr  }
0x1b: {  	s9 =	sadd.s32 $0xFFFFFEF7, lr;
	s5 =	simm.s32 $0xFFFFFFFF;
	p2 =	slt.u32 s8, $0xFFFFF086  }
0x1c: {  	p1 =	slt.u32 s9, $0xF7A;
	s5 =	simm.s32 @!p2 $0x0  }
0x1d: {  	s5 =	simm.s32 @p1 $0x1;
	p0 =	seq.s32 s7, s2  }
0x1e: {  	s7 =	smul.u32 @!p0 $0xF7A, s2;
	p2 =	seq.s32 @!p0 s5, $0x0  }
0x1f: {  	s9 =	smul.u32 $0xF7A, s1;
	s8 =	simm.s32 @!p0 $0x1BF5;
	p2 =	por !p2, p0  }
0x20: {  	[sflag:s8] =	ssyncset.s32 @!p0 $0xFFFFF086;
	s6 =	sadd.s32 @!p0 s3, s7;
	s7 =	simm.s32 @!p0 $0x108  }
0x21: {  	s3 =	sadd.s32 s3, s9;
	s6 =	sadd.s32 @!p0 $0x88, s6;
	s7 =	simm.s32 @p2 $0x1082  }
0x22: {  	[simem:s7], [sflag:s8] =	dma.local @!p0 [hbm:s6], $0xF7A  }
0x23: {  	s9 =	sor.u32 $0xD0000000, s2;
	s6 =	simm.s32 $0x108;
	_ =	swait.ge @!p0 [sflag:s8], $0x0  }
0x24: {  	s3 =	sadd.s32 $0x88, s3;
	s6 =	simm.s32 @!p1 $0x1082;
	[sflag:s4] =	ssyncset.s32 $0xFFFFF086  }
0x25: {  	[simem:s6], [sflag:s4] =	dma.local [hbm:s3], $0xF7A  }
0x26: {  	[smem:$0x3F9F] =	sst s1;
	(tag) =	ssettag s2;
	_ =	strace s9  }
0x27: {  	s1 =	sld [smem:$0x3FAF]  }
0x28: {  	s2 =	sld [smem:$0x3FB0]  }
0x29: {  	s4 =	sld [smem:$0x3FB2]  }
0x2a: {  	p0 =	seq.s32 s5, $0x0;
	s5 =	sld [smem:$0x3FB3]  }
0x2b: {  	s6 =	sld [smem:$0x3FB4]  }
0x2c: {  	s7 =	sld [smem:$0x3FB5]  }
0x2d: {  	s3 =	simm.s32 $0x108;
	s8 =	sld [smem:$0x3FB6]  }
0x2e: {  	s3 =	simm.s32 @!p0 $0x1082;
	s9 =	sld [smem:$0x3FB7]  }
0x2f: {  	lr =	sadd.s32 s0, s3;
	s0 =	sld [smem:$0x3FAE]  }
0x30: {  	s3 =	sld [smem:$0x3FB1]  }
0x31: {  	[smem:$0x3FBA] =	sst s10  }
0x32: {  	s10 =	sld [smem:$0x3FB8];
	_ =	sdelay $0x3  }
0x33: {  	p0 =	seq.s32 s10, $0x1;
	s10 =	sld [smem:$0x3FBA];
	_ =	sdelay $0x3  }
0x34: {  	[smem:$0x3FBA] =	sst s10  }
0x35: {  	s10 =	sld [smem:$0x3FB9];
	_ =	sdelay $0x3  }
0x36: {  	p1 =	seq.s32 s10, $0x1;
	s10 =	sld [smem:$0x3FBA];
	_ =	sdelay $0x3  }
0x37: {  	[smem:$0x3FBA] =	sst s10  }
0x38: {  	s10 =	sld [smem:$0x3FBB]  }
0x39: {  	_ = 	snop;
	(pc) =	sbr.ind lr, $3  }
0x3a: {  	_ = 	snop  }
0x3b: {  	_ = 	snop  }
0x3c: {  	p2 =	seq.s32 s10, $0x1;
	s10 =	sld [smem:$0x3FBA]  }
0x3d: {  	_ =	shalt  }
0x3e: {  	_ =	shalt  }
0x3f: {  	_ =	shalt  }
0x40: {  	_ =	shalt  }
0x41: {  	_ =	shalt  }
0x42: {  	_ =	shalt  }
0x43: {  	_ =	shalt  }
0x44: {  	_ =	shalt  }
0x45: {  	_ =	shalt  }
0x46: {  	_ =	shalt  }
0x47: {  	_ =	shalt  }
0x48: {  	_ =	shalt  }
0x49: {  	_ =	shalt  }
0x4a: {  	_ =	shalt  }
0x4b: {  	_ =	shalt  }
0x4c: {  	_ =	shalt  }
0x4d: {  	_ =	shalt  }
0x4e: {  	_ =	shalt  }
0x4f: {  	_ =	shalt  }
0x50: {  	_ =	shalt  }
0x51: {  	_ =	shalt  }
0x52: {  	_ =	shalt  }
0x53: {  	_ =	shalt  }
0x54: {  	_ =	shalt  }
0x55: {  	_ =	shalt  }
0x56: {  	_ =	shalt  }
0x57: {  	_ =	shalt  }
0x58: {  	_ =	shalt  }
0x59: {  	_ =	shalt  }
0x5a: {  	_ =	shalt  }
0x5b: {  	_ =	shalt  }
0x5c: {  	_ =	shalt  }
0x5d: {  	_ =	shalt  }
0x5e: {  	_ =	shalt  }
0x5f: {  	_ =	shalt  }
0x60: {  	_ =	shalt  }
0x61: {  	_ =	shalt  }
0x62: {  	_ =	shalt  }
0x63: {  	_ =	shalt  }
0x64: {  	_ =	shalt  }
0x65: {  	_ =	shalt  }
0x66: {  	_ =	shalt  }
0x67: {  	_ =	shalt  }
0x68: {  	_ =	shalt  }
0x69: {  	_ =	shalt  }
0x6a: {  	_ =	shalt  }
0x6b: {  	_ =	shalt  }
0x6c: {  	_ =	shalt  }
0x6d: {  	_ =	shalt  }
0x6e: {  	_ =	shalt  }
0x6f: {  	_ =	shalt  }
0x70: {  	_ =	shalt  }
0x71: {  	_ =	shalt  }
0x72: {  	_ =	shalt  }
0x73: {  	_ =	shalt  }
0x74: {  	_ =	shalt  }
0x75: {  	_ =	shalt  }
0x76: {  	_ =	shalt  }
0x77: {  	_ =	shalt  }
0x78: {  	_ =	shalt  }
0x79: {  	_ =	shalt  }
0x7a: {  	_ =	shalt  }
0x7b: {  	_ =	shalt  }
0x7c: {  	_ =	shalt  }
0x7d: {  	_ =	shalt  }
0x7e: {  	_ =	shalt  }
0x7f: {  	_ =	shalt  }
0x80: {  	_ =	shalt  }
0x81: {  	_ =	shalt  }
0x82: {  	_ =	shalt  }
0x83: {  	_ =	shalt  }
0x84: {  	_ =	shalt  }
0x85: {  	_ =	shalt  }
0x86: {  	_ =	shalt  }
0x87: {  	_ =	shalt  }
.Lfunc_end0:
.L_simem_size_0:
called_computation.1_lowered:
.L_overlay_start_0:
0x88: {  	s2 =	sld [smem:$0x3FD9]  }
0x89: {  	s3 =	sld [smem:$0x3FFE];
	_ =	sdelay $0x1  }
0x8a: {  	s1 =	srdreg.scid  }
0x8b: {  	s0 =	sand.u32 $0x1, s1  }
0x8c: {  	s17 =	sshll.u32 s0, $0xA;
	s2 =	sadd.s32 s3, s2  }
0x8d: {  	s2 =	sadd.s32 s2, s17  }
0x8e: {  	[smem:$0x3FC6] =	sst s2  }
0x8f: {  	_ = 	snop  }
0x90: {  	s2 =	sld [smem:$0x3FD0];
	(tm) =	ssettm $0x1  }
0x91: {  	s18 =	sld [smem:$0x3FFB];
	_ =	sdelay $0x3  }
0x92: {  	_ =	strace s18  }
0x93: {  	s3 =	sld [smem:$0x3FFC];
	_ =	sdelay $0x3  }
0x94: {  	_ =	strace s3  }
0x95: {  	s3 =	sld [smem:$0x3FFD];
	_ =	sdelay $0x3  }
0x96: {  	_ =	strace s3  }
0x97: {  	_ =	strace $0x8FFFFFFF  }
0x98: {  	s19 =	sld [smem:$0x3FDB];
	_ =	sdelay $0x1  }
0x99: {  	s4 =	simm.s32 $_scs_section_size  }
0x9a: {  	s5 =	simm.s32 $_size__tile_overlayer_lowered;
	s6 =	simm.s32 $_tile_overlayer_lowered  }
0x9b: {  	s22 =	simm.s32 $0x1BFF;
	s21 =	sshll.u32 s6, $0x1;
	s3 =	sadd.s32 s4, s19  }
0x9c: {  	s7 =	simm.s32 $0x0;
	s20 =	sshll.u32 s5, $0x1;
	s5 =	sadd.s32 s21, s3  }
0x9d: {  	[timem:s7], [sflag:s22] =	dma.local [hbm:s5], s20  }
0x9e: {  	_ =	swait.ge [sflag:s22], s20  }
0x9f: {  	s4 =	ssub.s32 $0x0, s20;
	[sflag:s22] =	ssyncset.done $0x0  }
0xa0: {  	[sflag:s22] =	ssyncadd.s32 s4;
	_ =	sdelay $0x1  }
0xa1: {  	s23 =	simm.s32 $0x1B8B  }
0xa2: {  	_ =	swait.ge [sflag:s23], $0x1  }
0xa3: {  	[sflag:s23] =	ssyncset.done $0x0  }
0xa4: {  	s25 =	simm.s32 $0x1B8E;
	s24 =	sld [smem:$0x3FFE];
	[sflag:s23] =	ssyncadd.s32 $0xFFFFFFFF  }
0xa5: {  	s26 =	simm.s32 $execute0_lowered;
	[smem:$0x3FD2] =	sst s25  }
0xa6: {  	s5 =	sshll.u32 s26, $0x1;
	_ =	strace $0x80000046;
	[dreg:$0x1] =	wrdreg $0xFFFFFFFF  }
0xa7: {  	s28 =	simm.s32 $_size_execute0_lowered;
	s3 =	sadd.s32 s3, s5;
	[dreg:$0x0] =	wrdreg $0x0  }
0xa8: {  	s5 =	sshll.u32 s28, $0x1;
	[dreg:$0x2] =	wrdreg s3  }
0xa9: {  	[dreg:$0x3] =	wrdreg s5  }
0xaa: {  	[dreg:$0x4] =	wrdreg $0xC0  }
0xab: {  	_ =	task [dreg:s7], $0x5FFFF  }
0xac: {  	[dreg:$0x1] =	wrdreg $0xFFFFFFFF  }
0xad: {  	[dreg:$0x0] =	wrdreg $0x60  }
0xae: {  	[dreg:$0x2] =	wrdreg s2  }
0xaf: {  	[dreg:$0x3] =	wrdreg s24  }
0xb0: {  	[dreg:$0x4] =	wrdreg $0x9  }
0xb1: {  	_ =	task.clear_ibuf [dreg:s7], $0x5FFFF;
	_ =	strace $0x90000046  }
0xb2: {  	s29 =	simm.s32 $0x9;
	_ =	strace $0x80000048  }
0xb3: {  	_ =	swait.ge [sflag:s29], $0x1  }
0xb4: {  	[sflag:s29] =	ssyncadd.s32 $0xFFFFFFFF  }
0xb5: {  	_ =	strace $0x90000048  }
0xb6: {  	_ =	sfence  }
0xb7: {  	s30 =	sld [smem:$0x0];
	_ =	sdelay $0x2  }
0xb8: {  	s31 =	sshll.u32 s1, $0xD;
	s1 =	sshrl.u32 s1, $0x2  }
0xb9: {  	s3 =	sand.u32 $0x4000, s31;
	s1 =	sadd.s32 s1, s30  }
0xba: {  	s0 =	sor.u32 s3, s0;
	s1 =	sshll.u32 s1, $0x11  }
0xbb: {  	s0 =	sor.u32 s1, s0  }
0xbc: {  	s0 =	sadd.s32 $0x8F2B, s0  }
0xbd: {  	[sflag:s0] =	ssyncadd.remote.s32 $0x1  }
0xbe: {  	_ =	sfence.sel $0xFFFF  }
0xbf: {  	[dreg:$0x0] =	wrdreg $0xFFFFFFFF;
	(pc) =	sbr.abs _section_cstart, $3  }
0xc0: {  	[dreg:$0x1] =	wrdreg $0xFFFFFFFF  }
0xc1: {  	_ =	task.clear_ibuf [dreg:s7], $0x2FFFF;
	_ =	strace $0x9FFFFFFF  }
0xc2: {  	(tm) =	ssettm $0x7FFFFFFF  }
0xc3: {  	_ =	shalt  }
tec
execute0_lowered:
.L_overlay_start_1:
0x0: {  	(tag) =	ssettag $0x1  }
0x1: {  	s1 =	srdreg.scid  }
0x2: {  	s0 =	stileid.u32;
	s2 =	rddreg [dreg:$0x0]  }
0x3: {  	s7 =	rddreg [dreg:$0x1];
	s3 =	simm.s32 $0x0;
	s11 =	simm.s32 $0x5  }
0x4: {  	s12 =	simm.s32 $0x300;
	s13 =	simm.s32 $0x480;
	s14 =	simm.s32 $0x1  }
0x5: {  	s15 =	simm.s32 $0x600;
	s5 =	sand.u32 $0x1, s1;
	s31 =	sshll.u32 s0, $0x1  }
0x6: {  	s16 =	simm.s32 $0x2;
	s17 =	simm.s32 $0xA600;
	s4 =	sor.u32 s5, s31  }
0x7: {  	s18 =	simm.s32 $0x3;
	s19 =	simm.s32 $0x4;
	s4 =	smul.u32 $0x19000, s4  }
.Ltmp0:
0x8: {  	s20 =	simm.s32 $0x0;
	[smem:$0x7FF] =	sst s3;
	(pc) =	sbr.rel .LBB2_1-.Ltmp0, $4  }
0x9: {  	s1 =	rddreg [dreg:$0x2];
	_ =	strace $0x80000047;
	s8 =	ssub.s32 $0x2, s5  }
0xa: {  	s5 =	sadd.s32 $0x800, s7;
	s9 =	sshrl.u32 s8, $0x1;
	s6 =	sshrl.u32 s4, $0x3  }
0xb: {  	s7 =	sadd.s32 $0xA00, s7;
	s10 =	ssub.s32 s8, s9;
	s6 =	sadd.s32 s2, s6  }
0xc: {  	s9 =	sor.u32 $0x140, s4;
	s10 =	smax.u32 s10, $0x1;
	s8 =	sadd.s32 $0x28, s6  }
.LBB2_8:
0xd: {  	s20 =	sadd.s32 $0x1, s20  }
0xe: {  	_ =	swait.ge [sflag:s18], $0xA000;
	p0 =	sne.s32 s20, s10  }
.Ltmp1:
0xf: {  	[sflag:s18] =	ssyncset.done $0x0;
	(pc) =	sbr.rel @!p0 .LBB2_9-.Ltmp1, $4  }
0x10: {  	[sflag:s18] =	ssyncadd.s32 $0xFFFF6000  }
0x11: {  	_ =	swait.ge [sflag:s19], $0xA000  }
0x12: {  	[sflag:s19] =	ssyncset.done $0x0  }
0x13: {  	[sflag:s19] =	ssyncadd.s32 $0xFFFF6000  }
.LBB2_1:
0x14: {  	[tilespmem:s3], [sflag:$0x5] =	stream.linear.gather [hbm4b:s5+s3], $0x300, $0x38;
	[tilespmem:$0x14600] =	vst v63  }
0x15: {  	_ =	swait.ge [sflag:s11], $0x300  }
0x16: {  	[sflag:s11] =	ssyncset.done $0x0  }
0x17: {  	[sflag:s11] =	ssyncadd.s32 $0xFFFFFD00  }
0x18: {  	[tilespmem:s12], [sflag:$0x1] =	stream.linear.gather [hbm4b:s6+s3], $0x140, $0x38;
	[tilespmem:$0x14600] =	vst v63  }
0x19: {  	s21 =	simm.s32 $0x0  }
0x1a: {  	[tilespmem:s13], [sflag:$0x2] =	stream.linear.gather [hbm4b:s8+s3], $0x140, $0x38;
	[tilespmem:$0x14600] =	vst v63  }
.LBB2_2:
0x1b: {  	_ =	swait.ge [sflag:s14], $0x140  }
0x1c: {  	p0 =	seq.s32 s21, $0x0;
	[sflag:s14] =	ssyncset.done $0x0  }
0x1d: {  	s24 =	simm.s32 @!p0 $0x3;
	[sflag:s14] =	ssyncadd.s32 $0xFFFFFEC0  }
0x1e: {  	s22 =	smul.u32 $0x280, s21;
	_ =	swait.ge @!p0 [sflag:s24], $0xA000  }
0x1f: {  	s25 =	simm.s32 $0xA00;
	[sflag:s24] =	ssyncset.done @!p0 $0x0  }
0x20: {  	s23 =	sadd.s32 s4, s22;
	[sflag:s24] =	ssyncadd.s32 @!p0 $0xFFFF6000;
	s24 =	simm.s32 $0x0  }
.LBB2_3:
0x21: {  	s26 =	sshra.s32 s24, $0x2  }
0x22: {  	v0 =	vld [tilespmem:s26+$0x300];
	_ =	sdelay $0x4  }
0x23: {  	v0 =	vshll.u32 v0, $0x5  }
0x24: {  	(v2sf) =	vpush v0, $0x0;
	_ =	sdelay $0x1  }
0x25: {  	(v2sf) =	vpush v0, $0x1;
	_ =	sdelay $0x1  }
0x26: {  	(v2sf) =	vpush v0, $0x2;
	_ =	sdelay $0x1  }
0x27: {  	(v2sf) =	vpush v0, $0x3;
	_ =	sdelay $0x1  }
0x28: {  	(v2sf) =	vpush v0, $0x4;
	_ =	sdelay $0x1  }
0x29: {  	(v2sf) =	vpush v0, $0x5;
	_ =	sdelay $0x1  }
0x2a: {  	(v2sf) =	vpush v0, $0x6;
	_ =	sdelay $0x1  }
0x2b: {  	(v2sf) =	vpush v0, $0x7  }
0x2c: {  	s28 =	spop (v2sf)  }
0x2d: {  	v1 =	vld [tilespmem:s28+$0x0]  }
0x2e: {  	v2 =	vld [tilespmem:s28+$0x10];
	s29 =	spop (v2sf)  }
0x2f: {  	v3 =	vld [tilespmem:s29+$0x0]  }
0x30: {  	v4 =	vld [tilespmem:s29+$0x10];
	s30 =	spop (v2sf)  }
0x31: {  	v5 =	vld [tilespmem:s30+$0x0]  }
0x32: {  	v6 =	vld [tilespmem:s30+$0x10];
	s31 =	spop (v2sf)  }
0x33: {  	v7 =	vld [tilespmem:s31+$0x0]  }
0x34: {  	v8 =	vld [tilespmem:s31+$0x10];
	s28 =	spop (v2sf)  }
0x35: {  	v9 =	vld [tilespmem:s28+$0x0]  }
0x36: {  	v10 =	vld [tilespmem:s28+$0x10];
	s29 =	spop (v2sf)  }
0x37: {  	v11 =	vld [tilespmem:s29+$0x0]  }
0x38: {  	v12 =	vld [tilespmem:s29+$0x10];
	s30 =	spop (v2sf)  }
0x39: {  	v13 =	vld [tilespmem:s30+$0x0]  }
0x3a: {  	v14 =	vld [tilespmem:s30+$0x10];
	s31 =	spop (v2sf)  }
0x3b: {  	v15 =	vld [tilespmem:s31+$0x0]  }
0x3c: {  	(v2sf) =	vpush v0, $0x8;
	v16 =	vld [tilespmem:s31+$0x10];
	[tilespmem:s25+$0xFFFFFC00] =	vst v1  }
0x3d: {  	[tilespmem:s25+$0xFFFFFC10] =	vst v2  }
0x3e: {  	(v2sf) =	vpush v0, $0x9;
	[tilespmem:s25+$0xFFFFFC80] =	vst v3  }
0x3f: {  	[tilespmem:s25+$0xFFFFFC90] =	vst v4  }
0x40: {  	(v2sf) =	vpush v0, $0xA;
	[tilespmem:s25+$0xFFFFFD00] =	vst v5  }
0x41: {  	[tilespmem:s25+$0xFFFFFD10] =	vst v6  }
0x42: {  	(v2sf) =	vpush v0, $0xB;
	[tilespmem:s25+$0xFFFFFD80] =	vst v7  }
0x43: {  	[tilespmem:s25+$0xFFFFFD90] =	vst v8  }
0x44: {  	(v2sf) =	vpush v0, $0xC;
	[tilespmem:s25+$0xFFFFFE00] =	vst v9  }
0x45: {  	[tilespmem:s25+$0xFFFFFE10] =	vst v10  }
0x46: {  	(v2sf) =	vpush v0, $0xD;
	[tilespmem:s25+$0xFFFFFE80] =	vst v11  }
0x47: {  	[tilespmem:s25+$0xFFFFFE90] =	vst v12  }
0x48: {  	(v2sf) =	vpush v0, $0xE;
	[tilespmem:s25+$0xFFFFFF00] =	vst v13  }
0x49: {  	[tilespmem:s25+$0xFFFFFF10] =	vst v14  }
0x4a: {  	(v2sf) =	vpush v0, $0xF;
	[tilespmem:s25+$0xFFFFFF80] =	vst v15  }
0x4b: {  	[tilespmem:s25+$0xFFFFFF90] =	vst v16;
	s28 =	spop (v2sf)  }
0x4c: {  	v63 =	vld [tilespmem:s28+$0x0]  }
0x4d: {  	v1 =	vld [tilespmem:s28+$0x10];
	s29 =	spop (v2sf)  }
0x4e: {  	v2 =	vld [tilespmem:s29+$0x0]  }
0x4f: {  	v3 =	vld [tilespmem:s29+$0x10];
	s30 =	spop (v2sf)  }
0x50: {  	v4 =	vld [tilespmem:s30+$0x0]  }
0x51: {  	v5 =	vld [tilespmem:s30+$0x10];
	s31 =	spop (v2sf)  }
0x52: {  	v6 =	vld [tilespmem:s31+$0x0]  }
0x53: {  	v7 =	vld [tilespmem:s31+$0x10];
	s28 =	spop (v2sf)  }
0x54: {  	v8 =	vld [tilespmem:s28+$0x0]  }
0x55: {  	v9 =	vld [tilespmem:s28+$0x10];
	s29 =	spop (v2sf)  }
0x56: {  	v10 =	vld [tilespmem:s29+$0x0]  }
0x57: {  	v11 =	vld [tilespmem:s29+$0x10];
	s30 =	spop (v2sf)  }
0x58: {  	v12 =	vld [tilespmem:s30+$0x0]  }
0x59: {  	v13 =	vld [tilespmem:s30+$0x10];
	s31 =	spop (v2sf)  }
0x5a: {  	v14 =	vld [tilespmem:s31+$0x0]  }
0x5b: {  	v15 =	vld [tilespmem:s31+$0x10];
	[tilespmem:s25+$0x0] =	vst v63  }
0x5c: {  	[tilespmem:s25+$0x10] =	vst v1  }
0x5d: {  	[tilespmem:s25+$0x80] =	vst v2  }
0x5e: {  	[tilespmem:s25+$0x90] =	vst v3  }
0x5f: {  	[tilespmem:s25+$0x100] =	vst v4  }
0x60: {  	[tilespmem:s25+$0x110] =	vst v5  }
0x61: {  	[tilespmem:s25+$0x180] =	vst v6  }
0x62: {  	[tilespmem:s25+$0x190] =	vst v7  }
0x63: {  	[tilespmem:s25+$0x200] =	vst v8  }
0x64: {  	[tilespmem:s25+$0x210] =	vst v9  }
0x65: {  	p1 =	sne.s32 s24, $0x4C0;
	[tilespmem:s25+$0x280] =	vst v10  }
.Ltmp2:
0x66: {  	[tilespmem:s25+$0x290] =	vst v11;
	(pc) =	sbr.rel @p1 .LBB2_3-.Ltmp2, $4  }
0x67: {  	[tilespmem:s25+$0x300] =	vst v12  }
0x68: {  	[tilespmem:s25+$0x310] =	vst v13  }
0x69: {  	[tilespmem:s25+$0x380] =	vst v14  }
0x6a: {  	s24 =	sadd.s32 $0x40, s24;
	[tilespmem:s25+$0x390] =	vst v15;
	s25 =	sadd.s32 $0x800, s25  }
0x6b: {  	s24 =	sshll.u32 s23, $0x4;
	p1 =	seq.s32 s21, $0x9F  }
0x6c: {  	s24 =	sadd.s32 s7, s24;
	s23 =	sshrl.u32 @!p1 s23, $0x3  }
0x6d: {  	[hbm4b:s24+s3] =	stream.linear.scatter [tilespmem:s15], [sflag:$0x3], $0xA000, $0x38;
	[tilespmem:$0x14600] =	vst v63  }
0x6e: {  	s23 =	sadd.s32 @!p1 s2, s23  }
0x6f: {  	s25 =	simm.s32 @!p1 $0x300;
	s24 =	simm.s32 @!p1 $0x0;
	s23 =	sadd.s32 @!p1 $0x50, s23  }
0x70: {  	[tilespmem:s25], [sflag:$0x1] =	stream.linear.gather @!p1 [hbm4b:s23+s24], $0x140, $0x38;
	[tilespmem:$0x14600] =	vst v63  }
0x71: {  	_ =	swait.ge [sflag:s16], $0x140  }
0x72: {  	[sflag:s16] =	ssyncset.done $0x0  }
0x73: {  	s23 =	simm.s32 @!p0 $0x4;
	[sflag:s16] =	ssyncadd.s32 $0xFFFFFEC0  }
0x74: {  	_ =	swait.ge @!p0 [sflag:s23], $0xA000  }
0x75: {  	s22 =	sadd.s32 s22, s9;
	[sflag:s23] =	ssyncset.done @!p0 $0x0  }
0x76: {  	s24 =	simm.s32 $0xAA00;
	[sflag:s23] =	ssyncadd.s32 @!p0 $0xFFFF6000;
	s23 =	simm.s32 $0x0  }
.LBB2_5:
0x77: {  	s25 =	sshra.s32 s23, $0x2  }
0x78: {  	v0 =	vld [tilespmem:s25+$0x480];
	_ =	sdelay $0x4  }
0x79: {  	v0 =	vshll.u32 v0, $0x5  }
0x7a: {  	(v2sf) =	vpush v0, $0x0;
	_ =	sdelay $0x1  }
0x7b: {  	(v2sf) =	vpush v0, $0x1;
	_ =	sdelay $0x1  }
0x7c: {  	(v2sf) =	vpush v0, $0x2;
	_ =	sdelay $0x1  }
0x7d: {  	(v2sf) =	vpush v0, $0x3;
	_ =	sdelay $0x1  }
0x7e: {  	(v2sf) =	vpush v0, $0x4;
	_ =	sdelay $0x1  }
0x7f: {  	(v2sf) =	vpush v0, $0x5;
	_ =	sdelay $0x1  }
0x80: {  	(v2sf) =	vpush v0, $0x6;
	_ =	sdelay $0x1  }
0x81: {  	(v2sf) =	vpush v0, $0x7  }
0x82: {  	s31 =	spop (v2sf)  }
0x83: {  	v1 =	vld [tilespmem:s31+$0x0]  }
0x84: {  	v2 =	vld [tilespmem:s31+$0x10];
	s26 =	spop (v2sf)  }
0x85: {  	v3 =	vld [tilespmem:s26+$0x0]  }
0x86: {  	v4 =	vld [tilespmem:s26+$0x10];
	s28 =	spop (v2sf)  }
0x87: {  	v5 =	vld [tilespmem:s28+$0x0]  }
0x88: {  	v6 =	vld [tilespmem:s28+$0x10];
	s29 =	spop (v2sf)  }
0x89: {  	v7 =	vld [tilespmem:s29+$0x0]  }
0x8a: {  	v8 =	vld [tilespmem:s29+$0x10];
	s30 =	spop (v2sf)  }
0x8b: {  	v9 =	vld [tilespmem:s30+$0x0]  }
0x8c: {  	v10 =	vld [tilespmem:s30+$0x10];
	s31 =	spop (v2sf)  }
0x8d: {  	v11 =	vld [tilespmem:s31+$0x0]  }
0x8e: {  	v12 =	vld [tilespmem:s31+$0x10];
	s26 =	spop (v2sf)  }
0x8f: {  	v13 =	vld [tilespmem:s26+$0x0]  }
0x90: {  	v14 =	vld [tilespmem:s26+$0x10];
	s28 =	spop (v2sf)  }
0x91: {  	v15 =	vld [tilespmem:s28+$0x0]  }
0x92: {  	(v2sf) =	vpush v0, $0x8;
	v16 =	vld [tilespmem:s28+$0x10];
	[tilespmem:s24+$0xFFFFFC00] =	vst v1  }
0x93: {  	[tilespmem:s24+$0xFFFFFC10] =	vst v2  }
0x94: {  	(v2sf) =	vpush v0, $0x9;
	[tilespmem:s24+$0xFFFFFC80] =	vst v3  }
0x95: {  	[tilespmem:s24+$0xFFFFFC90] =	vst v4  }
0x96: {  	(v2sf) =	vpush v0, $0xA;
	[tilespmem:s24+$0xFFFFFD00] =	vst v5  }
0x97: {  	[tilespmem:s24+$0xFFFFFD10] =	vst v6  }
0x98: {  	(v2sf) =	vpush v0, $0xB;
	[tilespmem:s24+$0xFFFFFD80] =	vst v7  }
0x99: {  	[tilespmem:s24+$0xFFFFFD90] =	vst v8  }
0x9a: {  	(v2sf) =	vpush v0, $0xC;
	[tilespmem:s24+$0xFFFFFE00] =	vst v9  }
0x9b: {  	[tilespmem:s24+$0xFFFFFE10] =	vst v10  }
0x9c: {  	(v2sf) =	vpush v0, $0xD;
	[tilespmem:s24+$0xFFFFFE80] =	vst v11  }
0x9d: {  	[tilespmem:s24+$0xFFFFFE90] =	vst v12  }
0x9e: {  	(v2sf) =	vpush v0, $0xE;
	[tilespmem:s24+$0xFFFFFF00] =	vst v13  }
0x9f: {  	[tilespmem:s24+$0xFFFFFF10] =	vst v14  }
0xa0: {  	(v2sf) =	vpush v0, $0xF;
	[tilespmem:s24+$0xFFFFFF80] =	vst v15  }
0xa1: {  	[tilespmem:s24+$0xFFFFFF90] =	vst v16;
	s29 =	spop (v2sf)  }
0xa2: {  	v63 =	vld [tilespmem:s29+$0x0]  }
0xa3: {  	v1 =	vld [tilespmem:s29+$0x10];
	s30 =	spop (v2sf)  }
0xa4: {  	v2 =	vld [tilespmem:s30+$0x0]  }
0xa5: {  	v3 =	vld [tilespmem:s30+$0x10];
	s31 =	spop (v2sf)  }
0xa6: {  	v4 =	vld [tilespmem:s31+$0x0]  }
0xa7: {  	v5 =	vld [tilespmem:s31+$0x10];
	s26 =	spop (v2sf)  }
0xa8: {  	v6 =	vld [tilespmem:s26+$0x0]  }
0xa9: {  	v7 =	vld [tilespmem:s26+$0x10];
	s28 =	spop (v2sf)  }
0xaa: {  	v8 =	vld [tilespmem:s28+$0x0]  }
0xab: {  	v9 =	vld [tilespmem:s28+$0x10];
	s29 =	spop (v2sf)  }
0xac: {  	v10 =	vld [tilespmem:s29+$0x0]  }
0xad: {  	v11 =	vld [tilespmem:s29+$0x10];
	s30 =	spop (v2sf)  }
0xae: {  	v12 =	vld [tilespmem:s30+$0x0]  }
0xaf: {  	v13 =	vld [tilespmem:s30+$0x10];
	s31 =	spop (v2sf)  }
0xb0: {  	v14 =	vld [tilespmem:s31+$0x0]  }
0xb1: {  	v15 =	vld [tilespmem:s31+$0x10];
	[tilespmem:s24+$0x0] =	vst v63  }
0xb2: {  	[tilespmem:s24+$0x10] =	vst v1  }
0xb3: {  	[tilespmem:s24+$0x80] =	vst v2  }
0xb4: {  	[tilespmem:s24+$0x90] =	vst v3  }
0xb5: {  	[tilespmem:s24+$0x100] =	vst v4  }
0xb6: {  	[tilespmem:s24+$0x110] =	vst v5  }
0xb7: {  	[tilespmem:s24+$0x180] =	vst v6  }
0xb8: {  	[tilespmem:s24+$0x190] =	vst v7  }
0xb9: {  	[tilespmem:s24+$0x200] =	vst v8  }
0xba: {  	[tilespmem:s24+$0x210] =	vst v9  }
0xbb: {  	p0 =	sne.s32 s23, $0x4C0;
	[tilespmem:s24+$0x280] =	vst v10  }
.Ltmp3:
0xbc: {  	[tilespmem:s24+$0x290] =	vst v11;
	(pc) =	sbr.rel @p0 .LBB2_5-.Ltmp3, $4  }
0xbd: {  	[tilespmem:s24+$0x300] =	vst v12  }
0xbe: {  	[tilespmem:s24+$0x310] =	vst v13  }
0xbf: {  	[tilespmem:s24+$0x380] =	vst v14  }
0xc0: {  	s23 =	sadd.s32 $0x40, s23;
	[tilespmem:s24+$0x390] =	vst v15;
	s24 =	sadd.s32 $0x800, s24  }
.Ltmp4:
0xc1: {  	(pc) =	sbr.rel @p1 .LBB2_8-.Ltmp4, $4  }
0xc2: {  	_ = 	snop  }
0xc3: {  	s23 =	sshll.u32 s22, $0x4  }
0xc4: {  	s23 =	sadd.s32 s7, s23  }
0xc5: {  	[hbm4b:s23+s3] =	stream.linear.scatter [tilespmem:s17], [sflag:$0x4], $0xA000, $0x38;
	[tilespmem:$0x14600] =	vst v63  }
.Ltmp5:
0xc6: {  	(pc) =	sbr.rel .LBB2_2-.Ltmp5, $4  }
0xc7: {  	s22 =	sshrl.u32 s22, $0x3  }
0xc8: {  	s22 =	sadd.s32 s2, s22  }
0xc9: {  	s21 =	sadd.s32 $0x1, s21;
	s22 =	sadd.s32 $0x50, s22  }
0xca: {  	[tilespmem:s13], [sflag:$0x2] =	stream.linear.gather [hbm4b:s22+s3], $0x140, $0x38;
	[tilespmem:$0x14600] =	vst v63  }
.LBB2_9:
0xcb: {  	_ =	sfence.sel $0x180000  }
0xcc: {  	[bflag:$0x0] =	sbarrier.arrive $0xFFFF  }
0xcd: {  	p0 =	sne.s32 s0, $0x0;
	_ =	strace $0x90000047  }
0xce: {  	s0 =	sadd.s32 @!p0 $0x100000, s1;
	[bflag:$0x2] =	sbarrier.arrive $0xFFFF  }
0xcf: {  	[sflag:s0] =	ssyncadd.tile.s32 @!p0 $0x1;
	_ =	shalt  }
.Lfunc_end2:
_tile_overlayer_lowered:
.L_overlay_start_2:
0xd0: {  	(tag) =	ssettag $0x2  }
0xd1: {  	s0 =	rddreg [dreg:$0x0];
	s2 =	stileid.u32  }
0xd2: {  	s1 =	rddreg [dreg:$0x1];
	p0 =	sne.s32 s2, $0x0  }
0xd3: {  	s3 =	rddreg [dreg:$0x2];
	[bflag:$0x3] =	sbarrier.arrive $0xFFFF;
	s2 =	simm.s32 @!p0 $0x1C05  }
0xd4: {  	[timem:s3], [sflag:s2] =	dma.local @!p0 [hbm:s0], s1  }
0xd5: {  	s0 =	simm.s32 @!p0 $0x5  }
0xd6: {  	_ =	swait.ge @!p0 [sflag:s0], s1  }
0xd7: {  	s1 =	ssub.s32 @!p0 $0x0, s1;
	[sflag:s0] =	ssyncset.done @!p0 $0x0  }
0xd8: {  	[sflag:s0] =	ssyncadd.s32 @!p0 s1  }
0xd9: {  	[bflag:$0x3] =	sbarrier.arrive $0xFFFF  }
0xda: {  	_ =	shalt  }

// kernel: sparse-core-data-format-call.cloned.1.call-start
scs
called_computation_lowered:
.L_overlay_start_0:
0x0: {  	s2 =	sld [smem:$0x3FD9]  }
0x1: {  	s3 =	sld [smem:$0x3FFE];
	_ =	sdelay $0x1  }
0x2: {  	s1 =	srdreg.scid  }
0x3: {  	s0 =	sand.u32 $0x1, s1  }
0x4: {  	s18 =	sshll.u32 s0, $0xA;
	s2 =	sadd.s32 s3, s2  }
0x5: {  	s2 =	sadd.s32 s2, s18  }
0x6: {  	[smem:$0x3FC6] =	sst s2  }
0x7: {  	_ = 	snop  }
0x8: {  	s2 =	sld [smem:$0x3FD0];
	(tm) =	ssettm $0x1  }
0x9: {  	s19 =	sld [smem:$0x3FFB];
	_ =	sdelay $0x3  }
0xa: {  	_ =	strace s19  }
0xb: {  	s3 =	sld [smem:$0x3FFC];
	_ =	sdelay $0x3  }
0xc: {  	_ =	strace s3  }
0xd: {  	s3 =	sld [smem:$0x3FFD];
	_ =	sdelay $0x3  }
0xe: {  	_ =	strace s3  }
0xf: {  	_ =	strace $0x8FFFFFFF  }
0x10: {  	s20 =	sld [smem:$0x3FDB];
	_ =	sdelay $0x1  }
0x11: {  	s4 =	simm.s32 $_scs_section_size  }
0x12: {  	s5 =	simm.s32 $_size__tile_overlayer_lowered;
	s6 =	simm.s32 $_tile_overlayer_lowered  }
0x13: {  	s23 =	simm.s32 $0x1BFF;
	s22 =	sshll.u32 s6, $0x1;
	s3 =	sadd.s32 s4, s20  }
0x14: {  	s7 =	simm.s32 $0x0;
	s21 =	sshll.u32 s5, $0x1;
	s5 =	sadd.s32 s22, s3  }
0x15: {  	[timem:s7], [sflag:s23] =	dma.local [hbm:s5], s21  }
0x16: {  	_ =	swait.ge [sflag:s23], s21  }
0x17: {  	s4 =	ssub.s32 $0x0, s21;
	[sflag:s23] =	ssyncset.done $0x0  }
0x18: {  	[sflag:s23] =	ssyncadd.s32 s4;
	_ =	sdelay $0x1  }
0x19: {  	s24 =	simm.s32 $0x1B8B  }
0x1a: {  	_ =	swait.ge [sflag:s24], $0x1  }
0x1b: {  	[sflag:s24] =	ssyncset.done $0x0  }
0x1c: {  	s26 =	simm.s32 $0x1B8E;
	s25 =	sld [smem:$0x3FFE];
	[sflag:s24] =	ssyncadd.s32 $0xFFFFFFFF  }
0x1d: {  	s27 =	simm.s32 $execute0_lowered;
	[smem:$0x3FD2] =	sst s26  }
0x1e: {  	s5 =	sshll.u32 s27, $0x1;
	_ =	strace $0x80000049;
	[dreg:$0x1] =	wrdreg $0xFFFFFFFF  }
0x1f: {  	s28 =	simm.s32 $_size_execute0_lowered;
	s3 =	sadd.s32 s3, s5;
	[dreg:$0x0] =	wrdreg $0x0  }
0x20: {  	s5 =	sshll.u32 s28, $0x1;
	[dreg:$0x2] =	wrdreg s3  }
0x21: {  	[dreg:$0x3] =	wrdreg s5  }
0x22: {  	[dreg:$0x4] =	wrdreg $0xC0  }
0x23: {  	_ =	task [dreg:s7], $0x5FFFF  }
0x24: {  	[dreg:$0x1] =	wrdreg $0xFFFFFFFF  }
0x25: {  	[dreg:$0x0] =	wrdreg $0x60  }
0x26: {  	[dreg:$0x2] =	wrdreg s25  }
0x27: {  	[dreg:$0x3] =	wrdreg s2  }
0x28: {  	[dreg:$0x4] =	wrdreg $0x9  }
0x29: {  	_ =	task.clear_ibuf [dreg:s7], $0x5FFFF;
	_ =	strace $0x90000049  }
0x2a: {  	s29 =	simm.s32 $0x9;
	_ =	strace $0x8000004B  }
0x2b: {  	_ =	swait.ge [sflag:s29], $0x1  }
0x2c: {  	[sflag:s29] =	ssyncadd.s32 $0xFFFFFFFF  }
0x2d: {  	_ =	strace $0x9000004B  }
0x2e: {  	_ =	sfence  }
0x2f: {  	s30 =	sld [smem:$0x0];
	_ =	sdelay $0x2  }
0x30: {  	s31 =	sshll.u32 s1, $0xD;
	s1 =	sshrl.u32 s1, $0x2  }
0x31: {  	s3 =	sand.u32 $0x4000, s31;
	s1 =	sadd.s32 s1, s30  }
0x32: {  	s0 =	sor.u32 s3, s0;
	s1 =	sshll.u32 s1, $0x11  }
0x33: {  	s0 =	sor.u32 s1, s0  }
0x34: {  	s0 =	sadd.s32 $0x8F2B, s0  }
0x35: {  	[sflag:s0] =	ssyncadd.remote.s32 $0x1  }
0x36: {  	_ =	sfence.sel $0xFFFF  }
0x37: {  	[dreg:$0x0] =	wrdreg $0xFFFFFFFF;
	(pc) =	sbr.abs _section_cstart, $3  }
0x38: {  	[dreg:$0x1] =	wrdreg $0xFFFFFFFF  }
0x39: {  	_ =	task.clear_ibuf [dreg:s7], $0x2FFFF;
	_ =	strace $0x9FFFFFFF  }
0x3a: {  	(tm) =	ssettm $0x7FFFFFFF  }
0x3b: {  	_ =	shalt  }
tec
execute0_lowered:
.L_overlay_start_1:
0x0: {  	(tag) =	ssettag $0x1  }
0x1: {  	s0 =	srdreg.scid  }
0x2: {  	s1 =	sshll.u32 s0, $0x4  }
0x3: {  	s0 =	stileid.u32;
	s1 =	sand.u32 $0x10, s1  }
0x4: {  	s1 =	sor.u32 s0, s1  }
0x5: {  	s6 =	rddreg [dreg:$0x0];
	s4 =	simm.s32 $0x1;
	s2 =	sshll.u32 s1, $0x7  }
0x6: {  	s7 =	simm.s32 $0x2;
	s12 =	simm.s32 $0x0;
	s1 =	ssub.s32 $0x4000, s2  }
0x7: {  	s8 =	simm.s32 $0x20000;
	s13 =	simm.s32 $0x0;
	s3 =	sand.u32 $0xF80, s1  }
0x8: {  	s9 =	simm.s32 $0x0;
	s5 =	sshrl.u32 s1, $0xC;
	p0 =	sne.s32 s3, $0x0  }
.Ltmp0:
0x9: {  	s1 =	rddreg [dreg:$0x2];
	s4 =	simm.s32 @!p0 $0x0;
	(pc) =	sbr.rel .LBB1_1-.Ltmp0, $4  }
0xa: {  	s11 =	simm.s32 $0x0;
	s3 =	rddreg [dreg:$0x1];
	s5 =	sadd.s32 s4, s5  }
0xb: {  	_ =	strace $0x8000004A;
	s4 =	simm.s32 $0x1;
	s5 =	smul.u32 $0xC8, s5  }
0xc: {  	s6 =	sadd.s32 $0xA00, s6;
	s10 =	smov.u32 s2;
	[sflag:s4] =	ssyncpa.u1 $0x0  }
0xd: {  	p0 =	por $0x0, $0x0;
	[sflag:s7] =	ssyncpa.u1 $0x0;
	s7 =	sor.u32 $0x1, s5  }
.LBB1_4:
0xe: {  	s16 =	sshll.u32 s13, $0x3;
	s17 =	sand.u32 $0x78, s13  }
0xf: {  	s30 =	sand.u32 $0xF800, s13;
	s12 =	sshll.u32 s12, $0x10;
	s16 =	sand.u32 $0x3C00, s16  }
0x10: {  	s31 =	sand.u32 $0x7, s13;
	s16 =	sor.u32 s17, s16;
	s17 =	sadd.s32 s3, s30  }
0x11: {  	s13 =	sshll.u32 s31, $0x12;
	s16 =	sshrl.u32 s16, $0x3;
	s12 =	sadd.s32 s12, s17  }
0x12: {  	[tilespmem:s15+$0x0 ss:$0x81] =	vst.msk $0xffff, v0;
	s13 =	sor.u32 $0x400, s13;
	s12 =	sadd.s32 s16, s12  }
0x13: {  	[hbm4b:s12+s13] =	stream.strided.scatter [tilespmem:s14], [sflag:$0x2], $0x1000, s8, s13, $0x20;
	[tilespmem:$0x4040] =	vst v63  }
.LBB1_5:
0x14: {  	s14 =	sadd.s32 $0x1, s9  }
0x15: {  	s12 =	sadd.s32 $0x1000, s10;
	s16 =	smov.u32 s10;
	p2 =	sgt.s32 s14, $0xC7  }
0x16: {  	s16 =	smov.u32 @p2 s12  }
0x17: {  	s14 =	simm.s32 @p2 $0x0;
	p2 =	sgt.s32 s16, $0x3FFF  }
0x18: {  	s16 =	smov.u32 @p2 s2;
	p2 =	sne.s32 s11, s7  }
.Ltmp1:
0x19: {  	p1 =	slt.u32 s11, $0x2;
	(pc) =	sbr.rel @!p2 .LBB1_6-.Ltmp1, $4  }
0x1a: {  	s15 =	simm.s32 @!p1 $0x2  }
0x1b: {  	s13 =	smov.u32 s10;
	p0 =	por !p0, !p0;
	_ =	swait.ge @!p1 [sflag:s15], $0x1000  }
0x1c: {  	s12 =	smov.u32 s9;
	[sflag:s15] =	ssyncset.done @!p1 $0x0;
	s9 =	smov.u32 s14  }
0x1d: {  	s11 =	sadd.s32 $0x1, s11;
	[sflag:s15] =	ssyncadd.s32 @!p1 $0xFFFFF000;
	s10 =	smov.u32 s16  }
.LBB1_1:
0x1e: {  	p1 =	sge.u32 s11, s5  }
0x1f: {  	s14 =	sand.u32 @!p1 $0x1FFFFFF, s9  }
0x20: {  	s15 =	smulhi.u32 @!p1 $0x147AE15, s14;
	_ =	sdelay $0x1  }
0x21: {  	s15 =	smul.u32 @!p1 $0xC8, s15  }
0x22: {  	s16 =	sxor.u32 @!p1 $0xFFFFFFFF, s11;
	s17 =	smul.u32 @!p1 $0xC80, s10  }
0x23: {  	s31 =	sadd.s32 $0xFFFFFFFF, s11;
	s16 =	sshll.u32 @!p1 s16, $0xC;
	s14 =	ssub.s32 @!p1 s14, s15  }
0x24: {  	s15 =	sand.u32 @!p1 $0x1000, s16;
	s16 =	sadd.s32 @!p1 s6, s17;
	s14 =	sshll.u32 @!p1 s14, $0x4  }
0x25: {  	s17 =	simm.s32 @!p1 $0x6400;
	s14 =	sadd.s32 @!p1 s14, s16;
	s16 =	simm.s32 @!p1 $0x20  }
0x26: {  	[tilespmem:s15], [sflag:$0x1] =	stream.strided.gather @!p1 [hbm4b:s14+s16], $0x1000, s17, s16, $0x38;
	[tilespmem:$0x4040] =	vst v63  }
0x27: {  	p1 =	sge.u32 s31, s5  }
.Ltmp2:
0x28: {  	_ = 	snop;
	(pc) =	sbr.rel @p1 .LBB1_5-.Ltmp2, $1  }
0x29: {  	_ =	sdelay $0x3  }
0x2a: {  	s14 =	simm.s32 $0x1  }
0x2b: {  	_ =	swait.ge [sflag:s4], $0x1000;
	s14 =	simm.s32 @!p0 $0x0  }
0x2c: {  	[sflag:s4] =	ssyncset.done $0x0;
	s15 =	sshll.u32 s14, $0xC  }
0x2d: {  	[sflag:s4] =	ssyncadd.s32 $0xFFFFF000;
	s18 =	sor.u32 $0x10, s15  }
0x2e: {  	s14 =	smul.u32 $0x4080, s14;
	v1 =	vld [tilespmem:s18+$0x0]  }
0x2f: {  	s30 =	sand.u32 $0x1, s11;
	v0 =	vld [tilespmem:s18+$0xFFFFFFF0]  }
0x30: {  	s15 =	smul.u32 $0x4080, s30;
	s14 =	sshrl.u32 s14, $0x2  }
0x31: {  	s16 =	sor.u32 $0x2000, s14  }
0x32: {  	s31 =	sshrl.u32 s15, $0x2;
	s15 =	sadd.s32 $0x0, s16  }
0x33: {  	s17 =	simm.s32 $0x4;
	s18 =	sadd.s32 $0x20, s18;
	s14 =	sor.u32 $0x2000, s31;
	[tilespmem:s15+$0x810 ss:$0x81] =	vst.msk $0xffff, v1  }
.LBB1_3:
0x34: {  	v1 =	vld [tilespmem:s18+$0x0];
	p1 =	sne.s32 s17, $0x1FC;
	[tilespmem:s15+$0x0 ss:$0x81] =	vst.msk $0xffff, v0;
	s15 =	smov.u32 s17;
	s17 =	sadd.s32 $0x4, s17  }
.Ltmp3:
0x35: {  	v0 =	vld [tilespmem:s18+$0xFFFFFFF0];
	(pc) =	sbr.rel @p1 .LBB1_3-.Ltmp3, $4  }
0x36: {  	_ = 	snop  }
0x37: {  	s15 =	sshra.s32 s15, $0x2  }
0x38: {  	s15 =	sadd.s32 s15, s16  }
0x39: {  	s18 =	sadd.s32 $0x20, s18;
	[tilespmem:s15+$0x810 ss:$0x81] =	vst.msk $0xffff, v1  }
.Ltmp4:
0x3a: {  	_ = 	snop;
	(pc) =	sbr.rel .LBB1_4-.Ltmp4, $1  }
0x3b: {  	_ =	sdelay $0x3  }
.LBB1_6:
0x3c: {  	_ =	sfence.sel $0x180000  }
0x3d: {  	s2 =	simm.s32 $0x1;
	[bflag:$0x0] =	sbarrier.arrive $0xFFFF  }
0x3e: {  	s31 =	simm.s32 $0x2;
	[sflag:s2] =	ssyncpa.u1 $0x1  }
0x3f: {  	[sflag:s31] =	ssyncpa.u1 $0x1  }
0x40: {  	p0 =	sne.s32 s0, $0x0;
	_ =	strace $0x9000004A  }
0x41: {  	s0 =	sadd.s32 @!p0 $0x100000, s1;
	[bflag:$0x2] =	sbarrier.arrive $0xFFFF  }
0x42: {  	[sflag:s0] =	ssyncadd.tile.s32 @!p0 $0x1;
	_ =	shalt  }
.Lfunc_end1:
_tile_overlayer_lowered:
.L_overlay_start_2:
0x43: {  	(tag) =	ssettag $0x2  }
0x44: {  	s0 =	rddreg [dreg:$0x0];
	s2 =	stileid.u32  }
0x45: {  	s1 =	rddreg [dreg:$0x1];
	p0 =	sne.s32 s2, $0x0  }
0x46: {  	s3 =	rddreg [dreg:$0x2];
	[bflag:$0x3] =	sbarrier.arrive $0xFFFF;
	s2 =	simm.s32 @!p0 $0x1C01  }
0x47: {  	[timem:s3], [sflag:s2] =	dma.local @!p0 [hbm:s0], s1  }
0x48: {  	s0 =	simm.s32 @!p0 $0x1  }
0x49: {  	_ =	swait.ge @!p0 [sflag:s0], s1  }
0x4a: {  	s1 =	ssub.s32 @!p0 $0x0, s1;
	[sflag:s0] =	ssyncset.done @!p0 $0x0  }
0x4b: {  	[sflag:s0] =	ssyncadd.s32 @!p0 s1  }
0x4c: {  	[bflag:$0x3] =	sbarrier.arrive $0xFFFF  }
0x4d: {  	_ =	shalt  }

</sc_bundles>
